<compile_context>
chip_gen: v7x
topology: tpu7x:2x2x1
jax: 0.10.2.dev20260603
libtpu: 0.0.44.dev20260713+nightly
codegen_flags: <defaults>
</compile_context>

<pallas_src>
import functools

import jax
import jax.numpy as jnp
from jax import lax
from jax.experimental import pallas as pl
from jax.experimental.pallas import tpu as pltpu
from jax.experimental.pallas import tpu_sc as plsc

VOCAB = 100000
EMBED = 64
BATCH = 1024
CTX = 50

_NC = 2
_NS = 16
_NW = _NC * _NS
_BPW = BATCH // _NW
_RPW = _BPW * CTX
_GCH = 80
_NCHUNK = _RPW // _GCH


def _rsqrt_newton(x):
    i = plsc.bitcast(x, jnp.int32)
    i = jnp.int32(0x5F3759DF) - lax.shift_right_logical(i, 1)
    y = plsc.bitcast(i, jnp.float32)
    for _ in range(3):
        y = y * (1.5 - 0.5 * x * y * y)
    return y


def _make_pool_kernel():
    mesh = plsc.VectorSubcoreMesh(core_axis_name="c", subcore_axis_name="s")

    @functools.partial(
        pl.kernel,
        out_type=jax.ShapeDtypeStruct((BATCH, EMBED), jnp.float32),
        mesh=mesh,
        compiler_params=pltpu.CompilerParams(
            needs_layout_passes=False, use_tc_tiling_on_sc=False
        ),
        scratch_types=[
            pltpu.VMEM((_RPW,), jnp.int32),
            pltpu.VMEM((_RPW, EMBED), jnp.float32),
            pltpu.VMEM((_BPW, EMBED), jnp.float32),
            pltpu.SemaphoreType.DMA,
        ],
    )
    def pool(table_hbm, idx_hbm, out_hbm, idx_v, rows_v, pool_v, sem):
        wid = lax.axis_index("s") * _NC + lax.axis_index("c")
        pltpu.sync_copy(idx_hbm.at[pl.ds(wid * _RPW, _RPW)], idx_v)
        copies = []
        for k in range(_NCHUNK):
            cp = pltpu.make_async_copy(
                table_hbm.at[idx_v.at[pl.ds(k * _GCH, _GCH)]],
                rows_v.at[pl.ds(k * _GCH, _GCH)],
                sem,
            )
            cp.start()
            copies.append(cp)
        for cp in copies:
            cp.wait()

        def row_body(b, _):
            def ctx_body(c, acc):
                r = b * CTX + c
                vs = [rows_v[r, pl.ds(j * 16, 16)] for j in range(EMBED // 16)]
                sq = vs[0] * vs[0]
                for v in vs[1:]:
                    sq = sq + v * v
                n2 = jnp.full((16,), jnp.sum(sq), dtype=jnp.float32)
                scale = jnp.where(n2 > 1.0, _rsqrt_newton(n2), 1.0)
                return tuple(a + scale * v for a, v in zip(acc, vs))

            zero = jnp.zeros((16,), jnp.float32)
            acc = lax.fori_loop(0, CTX, ctx_body, (zero,) * (EMBED // 16),
                                unroll=5)
            inv = jnp.float32(1.0 / CTX)
            for j in range(EMBED // 16):
                pool_v[b, pl.ds(j * 16, 16)] = acc[j] * inv
            return 0

        lax.fori_loop(0, _BPW, row_body, 0)
        pltpu.sync_copy(pool_v, out_hbm.at[pl.ds(wid * _BPW, _BPW)])

    return pool


_pool_kernel = _make_pool_kernel()

_VB = 2048
_NFULL = VOCAB // _VB


def _mm_body(p_ref, w_ref, b_ref, o_ref):
    o_ref[...] = (
        lax.dot_general(
            p_ref[...],
            w_ref[...],
            (((1,), (1,)), ((), ())),
            preferred_element_type=jnp.float32,
        )
        + b_ref[...]
    )


_NBT = _NFULL + 1
_TAILR = VOCAB - _NFULL * _VB


def _mmt_body(p_ref, wt_ref, b_ref, out_hbm, buf0, buf1, sems):
    j = pl.program_id(0)
    xt = lax.dot_general(
        wt_ref[...],
        p_ref[...],
        (((0,), (1,)), ((), ())),
        preferred_element_type=jnp.float32,
    ) + jnp.transpose(b_ref[...], (1, 0))

    def dma(slot, buf, jj, rows):
        return pltpu.make_async_copy(
            buf.at[pl.ds(0, rows)],
            out_hbm.at[pl.ds(jj * _VB, rows)],
            sems.at[slot],
        )

    for slot, buf in ((0, buf0), (1, buf1)):
        is_mine = lax.rem(j, 2) == slot

        @pl.when(jnp.logical_and(is_mine, j >= 2))
        def _():
            dma(slot, buf, j - 2, _VB).wait()

        @pl.when(is_mine)
        def _():
            buf[...] = xt

        @pl.when(jnp.logical_and(is_mine, j < _NBT - 1))
        def _():
            dma(slot, buf, j, _VB).start()

        @pl.when(jnp.logical_and(is_mine, j == _NBT - 1))
        def _():
            dma(slot, buf, j, _TAILR).start()

    @pl.when(j == _NBT - 1)
    def _():
        dma(1, buf1, 0, _VB).wait()
        dma(0, buf0, 0, _TAILR).wait()


def _project(pooled, lin_wt, lin_b2d):
    out_t = pl.pallas_call(
        _mmt_body,
        grid=(_NBT,),
        in_specs=[
            pl.BlockSpec((BATCH, EMBED), lambda j: (0, 0)),
            pl.BlockSpec((EMBED, _VB), lambda j: (0, j)),
            pl.BlockSpec((1, _VB), lambda j: (0, j)),
        ],
        out_specs=pl.BlockSpec(memory_space=pl.ANY),
        out_shape=jax.ShapeDtypeStruct((VOCAB, BATCH), jnp.float32),
        scratch_shapes=[
            pltpu.VMEM((_VB, BATCH), jnp.float32),
            pltpu.VMEM((_VB, BATCH), jnp.float32),
            pltpu.SemaphoreType.DMA((2,)),
        ],
        compiler_params=pltpu.CompilerParams(
            dimension_semantics=("arbitrary",),
        ),
    )(pooled, lin_wt, lin_b2d)
    return out_t.T


def kernel(inputs_, emb_table, lin_w, lin_b):
    idx = inputs_.astype(jnp.int32).reshape(-1)
    pooled = _pool_kernel(emb_table, idx)
    return _project(pooled, lin_w.T, lin_b.reshape(1, VOCAB))

# --- scband reference (transcript-rebuilt; emitter-appended) ---
"""Pipeline reference for scband-cbow-10368051052687 (READ-ONLY COPY).

The authoritative reference and input builder live on the scoring server;
editing this copy changes nothing except your own understanding.
"""

import jax, jax.numpy as jnp
import numpy as np

VOCAB = 100000
EMBED = 64
BATCH = 1024
CTX = 50
PAD_IDX = VOCAB - 1


def setup_inputs(seed: int = 0) -> dict:
    key = jax.random.key(seed)
    k1, k2, k3 = jax.random.split(key, 3)
    inputs_ = jax.random.randint(k1, (BATCH, CTX), 0, VOCAB)
    emb_table = jax.random.normal(k2, (VOCAB, EMBED), dtype=jnp.float32)
    # padding_idx row is zero-initialized in torch
    emb_table = emb_table.at[PAD_IDX].set(0.0)
    lin_w = jax.random.normal(k3, (VOCAB, EMBED), dtype=jnp.float32) * 0.02
    lin_b = jnp.zeros((VOCAB,), dtype=jnp.float32)
    return {"inputs_": inputs_, "emb_table": emb_table, "lin_w": lin_w, "lin_b": lin_b}


def _renorm(table, max_norm=1.0, eps=1e-7):
    # torch nn.Embedding(max_norm=1): rows with L2 norm > max_norm are rescaled to max_norm
    norms = jnp.linalg.norm(table, axis=1, keepdims=True)
    scale = jnp.where(norms > max_norm, max_norm / (norms + eps), 1.0)
    return table * scale


def reference(inputs_, emb_table, lin_w, lin_b):
    table = _renorm(emb_table)
    x = jnp.take(table, inputs_, axis=0)  # [B, CTX, EMBED] gather
    x = x.mean(axis=1)                    # [B, EMBED]
    out = x @ lin_w.T + lin_b             # [B, VOCAB]
    return out

if __name__ == "__main__":
    import jax
    _d = setup_inputs()
    print(jax.jit(kernel)(*tuple(_d.values())))

</pallas_src>

<mosaic_0001>
#map = affine_map<(d0, d1) -> (0, 0)>
#map1 = affine_map<(d0, d1) -> (0)>
module attributes {stable_mosaic.version = 14 : i64} {
  func.func @pool(%arg0: i32, %arg1: i32, %arg2: memref<100000x64xf32, #tpu.memory_space<hbm>>, %arg3: memref<51200xi32, #tpu.memory_space<hbm>>, %arg4: memref<1024x64xf32, #tpu.memory_space<hbm>>, %arg5: memref<1600xi32, #tpu.memory_space<vmem>>, %arg6: memref<1600x64xf32, #tpu.memory_space<vmem>>, %arg7: memref<32x64xf32, #tpu.memory_space<vmem>>, %arg8: memref<!tpu.dma_semaphore, #tpu.memory_space<semaphore_mem>>) attributes {dimension_semantics = [#tpu.dimension_semantics<core_parallel>, #tpu.dimension_semantics<subcore_parallel>], iteration_bounds = array<i64: 2, 16>, scalar_prefetch = 0 : i64, scratch_operands = 4 : i64, tpu.core_type = #tpu.core_type<sc_vector_subcore>, window_params = [{transform_indices = #map}, {transform_indices = #map1}, {transform_indices = #map}]} {
    %mul3A = arith.constant 2 : i32
    %mul3A_0 = arith.muli %arg1, %mul3A : i32
    %add3A = arith.addi %mul3A_0, %arg0 : i32
    %mul3A_1 = arith.constant 1600 : i32
    %mul3A_2 = arith.muli %add3A, %mul3A_1 : i32
    "tpu.region"() ({
      %run_scoped3A = tpu.sem_alloc : memref<!tpu.dma_semaphore, #tpu.memory_space<semaphore_mem>>
      %dma_start3A_329 = tpu.memref_slice %arg3[%mul3A_2] : memref<51200xi32, #tpu.memory_space<hbm>> -> memref<1600xi32, #tpu.memory_space<hbm>>
      %dma_start3A_330 = tpu.memref_slice %arg3[%mul3A_2] : memref<51200xi32, #tpu.memory_space<hbm>> -> memref<1600xi32, #tpu.memory_space<hbm>>
      tpu.enqueue_dma source(%dma_start3A_330 : memref<1600xi32, #tpu.memory_space<hbm>>) target(%arg5 : memref<1600xi32, #tpu.memory_space<vmem>>) target_semaphore(%run_scoped3A : memref<!tpu.dma_semaphore, #tpu.memory_space<semaphore_mem>>)
      %dma_wait3A_331 = tpu.memref_slice %arg3[%mul3A_2] : memref<51200xi32, #tpu.memory_space<hbm>> -> memref<1600xi32, #tpu.memory_space<hbm>>
      %dma_wait3A_332 = tpu.memref_slice %arg3[%mul3A_2] : memref<51200xi32, #tpu.memory_space<hbm>> -> memref<1600xi32, #tpu.memory_space<hbm>>
      tpu.wait_dma2 semaphore(%run_scoped3A : memref<!tpu.dma_semaphore, #tpu.memory_space<semaphore_mem>>) src(%dma_wait3A_332 : memref<1600xi32, #tpu.memory_space<hbm>>) dst(%arg5 : memref<1600xi32, #tpu.memory_space<vmem>>)
      tpu.yield
    }) : () -> ()
    %dma_start3A = arith.constant 0 : i32
    %dma_start3A_3 = arith.constant 0 : i32
    %dma_start3A_4 = tpu.memref_slice %arg6[%dma_start3A, %dma_start3A_3] : memref<1600x64xf32, #tpu.memory_space<vmem>> -> memref<80x64xf32, #tpu.memory_space<vmem>>
    %dma_start3A_5 = arith.constant 0 : i32
    %dma_start3A_6 = tpu.memref_slice %arg5[%dma_start3A_5] : memref<1600xi32, #tpu.memory_space<vmem>> -> memref<80xi32, #tpu.memory_space<vmem>>
    %dma_start3A_7 = arith.constant 0 : i32
    %dma_start3A_8 = arith.constant 0 : i32
    %dma_start3A_9 = tpu.memref_slice %arg2[%dma_start3A_7, %dma_start3A_8] : memref<100000x64xf32, #tpu.memory_space<hbm>> -> memref<100000x64xf32, #tpu.memory_space<hbm>>
    tpu.enqueue_indirect_dma source(%dma_start3A_9 : memref<100000x64xf32, #tpu.memory_space<hbm>>) target(%dma_start3A_4 : memref<80x64xf32, #tpu.memory_space<vmem>>) offsets(%dma_start3A_6 : memref<80xi32, #tpu.memory_space<vmem>>) semaphore(%arg8 : memref<!tpu.dma_semaphore, #tpu.memory_space<semaphore_mem>>)
    %dma_start3A_10 = arith.constant 80 : i32
    %dma_start3A_11 = arith.constant 0 : i32
    %dma_start3A_12 = tpu.memref_slice %arg6[%dma_start3A_10, %dma_start3A_11] : memref<1600x64xf32, #tpu.memory_space<vmem>> -> memref<80x64xf32, #tpu.memory_space<vmem>>
    %dma_start3A_13 = arith.constant 80 : i32
    %dma_start3A_14 = tpu.memref_slice %arg5[%dma_start3A_13] : memref<1600xi32, #tpu.memory_space<vmem>> -> memref<80xi32, #tpu.memory_space<vmem>>
    %dma_start3A_15 = arith.constant 0 : i32
    %dma_start3A_16 = arith.constant 0 : i32
    %dma_start3A_17 = tpu.memref_slice %arg2[%dma_start3A_15, %dma_start3A_16] : memref<100000x64xf32, #tpu.memory_space<hbm>> -> memref<100000x64xf32, #tpu.memory_space<hbm>>
    tpu.enqueue_indirect_dma source(%dma_start3A_17 : memref<100000x64xf32, #tpu.memory_space<hbm>>) target(%dma_start3A_12 : memref<80x64xf32, #tpu.memory_space<vmem>>) offsets(%dma_start3A_14 : memref<80xi32, #tpu.memory_space<vmem>>) semaphore(%arg8 : memref<!tpu.dma_semaphore, #tpu.memory_space<semaphore_mem>>)
    %dma_start3A_18 = arith.constant 160 : i32
    %dma_start3A_19 = arith.constant 0 : i32
    %dma_start3A_20 = tpu.memref_slice %arg6[%dma_start3A_18, %dma_start3A_19] : memref<1600x64xf32, #tpu.memory_space<vmem>> -> memref<80x64xf32, #tpu.memory_space<vmem>>
    %dma_start3A_21 = arith.constant 160 : i32
    %dma_start3A_22 = tpu.memref_slice %arg5[%dma_start3A_21] : memref<1600xi32, #tpu.memory_space<vmem>> -> memref<80xi32, #tpu.memory_space<vmem>>
    %dma_start3A_23 = arith.constant 0 : i32
    %dma_start3A_24 = arith.constant 0 : i32
    %dma_start3A_25 = tpu.memref_slice %arg2[%dma_start3A_23, %dma_start3A_24] : memref<100000x64xf32, #tpu.memory_space<hbm>> -> memref<100000x64xf32, #tpu.memory_space<hbm>>
    tpu.enqueue_indirect_dma source(%dma_start3A_25 : memref<100000x64xf32, #tpu.memory_space<hbm>>) target(%dma_start3A_20 : memref<80x64xf32, #tpu.memory_space<vmem>>) offsets(%dma_start3A_22 : memref<80xi32, #tpu.memory_space<vmem>>) semaphore(%arg8 : memref<!tpu.dma_semaphore, #tpu.memory_space<semaphore_mem>>)
    %dma_start3A_26 = arith.constant 240 : i32
    %dma_start3A_27 = arith.constant 0 : i32
    %dma_start3A_28 = tpu.memref_slice %arg6[%dma_start3A_26, %dma_start3A_27] : memref<1600x64xf32, #tpu.memory_space<vmem>> -> memref<80x64xf32, #tpu.memory_space<vmem>>
    %dma_start3A_29 = arith.constant 240 : i32
    %dma_start3A_30 = tpu.memref_slice %arg5[%dma_start3A_29] : memref<1600xi32, #tpu.memory_space<vmem>> -> memref<80xi32, #tpu.memory_space<vmem>>
    %dma_start3A_31 = arith.constant 0 : i32
    %dma_start3A_32 = arith.constant 0 : i32
    %dma_start3A_33 = tpu.memref_slice %arg2[%dma_start3A_31, %dma_start3A_32] : memref<100000x64xf32, #tpu.memory_space<hbm>> -> memref<100000x64xf32, #tpu.memory_space<hbm>>
    tpu.enqueue_indirect_dma source(%dma_start3A_33 : memref<100000x64xf32, #tpu.memory_space<hbm>>) target(%dma_start3A_28 : memref<80x64xf32, #tpu.memory_space<vmem>>) offsets(%dma_start3A_30 : memref<80xi32, #tpu.memory_space<vmem>>) semaphore(%arg8 : memref<!tpu.dma_semaphore, #tpu.memory_space<semaphore_mem>>)
    %dma_start3A_34 = arith.constant 320 : i32
    %dma_start3A_35 = arith.constant 0 : i32
    %dma_start3A_36 = tpu.memref_slice %arg6[%dma_start3A_34, %dma_start3A_35] : memref<1600x64xf32, #tpu.memory_space<vmem>> -> memref<80x64xf32, #tpu.memory_space<vmem>>
    %dma_start3A_37 = arith.constant 320 : i32
    %dma_start3A_38 = tpu.memref_slice %arg5[%dma_start3A_37] : memref<1600xi32, #tpu.memory_space<vmem>> -> memref<80xi32, #tpu.memory_space<vmem>>
    %dma_start3A_39 = arith.constant 0 : i32
    %dma_start3A_40 = arith.constant 0 : i32
    %dma_start3A_41 = tpu.memref_slice %arg2[%dma_start3A_39, %dma_start3A_40] : memref<100000x64xf32, #tpu.memory_space<hbm>> -> memref<100000x64xf32, #tpu.memory_space<hbm>>
    tpu.enqueue_indirect_dma source(%dma_start3A_41 : memref<100000x64xf32, #tpu.memory_space<hbm>>) target(%dma_start3A_36 : memref<80x64xf32, #tpu.memory_space<vmem>>) offsets(%dma_start3A_38 : memref<80xi32, #tpu.memory_space<vmem>>) semaphore(%arg8 : memref<!tpu.dma_semaphore, #tpu.memory_space<semaphore_mem>>)
    %dma_start3A_42 = arith.constant 400 : i32
    %dma_start3A_43 = arith.constant 0 : i32
    %dma_start3A_44 = tpu.memref_slice %arg6[%dma_start3A_42, %dma_start3A_43] : memref<1600x64xf32, #tpu.memory_space<vmem>> -> memref<80x64xf32, #tpu.memory_space<vmem>>
    %dma_start3A_45 = arith.constant 400 : i32
    %dma_start3A_46 = tpu.memref_slice %arg5[%dma_start3A_45] : memref<1600xi32, #tpu.memory_space<vmem>> -> memref<80xi32, #tpu.memory_space<vmem>>
    %dma_start3A_47 = arith.constant 0 : i32
    %dma_start3A_48 = arith.constant 0 : i32
    %dma_start3A_49 = tpu.memref_slice %arg2[%dma_start3A_47, %dma_start3A_48] : memref<100000x64xf32, #tpu.memory_space<hbm>> -> memref<100000x64xf32, #tpu.memory_space<hbm>>
    tpu.enqueue_indirect_dma source(%dma_start3A_49 : memref<100000x64xf32, #tpu.memory_space<hbm>>) target(%dma_start3A_44 : memref<80x64xf32, #tpu.memory_space<vmem>>) offsets(%dma_start3A_46 : memref<80xi32, #tpu.memory_space<vmem>>) semaphore(%arg8 : memref<!tpu.dma_semaphore, #tpu.memory_space<semaphore_mem>>)
    %dma_start3A_50 = arith.constant 480 : i32
    %dma_start3A_51 = arith.constant 0 : i32
    %dma_start3A_52 = tpu.memref_slice %arg6[%dma_start3A_50, %dma_start3A_51] : memref<1600x64xf32, #tpu.memory_space<vmem>> -> memref<80x64xf32, #tpu.memory_space<vmem>>
    %dma_start3A_53 = arith.constant 480 : i32
    %dma_start3A_54 = tpu.memref_slice %arg5[%dma_start3A_53] : memref<1600xi32, #tpu.memory_space<vmem>> -> memref<80xi32, #tpu.memory_space<vmem>>
    %dma_start3A_55 = arith.constant 0 : i32
    %dma_start3A_56 = arith.constant 0 : i32
    %dma_start3A_57 = tpu.memref_slice %arg2[%dma_start3A_55, %dma_start3A_56] : memref<100000x64xf32, #tpu.memory_space<hbm>> -> memref<100000x64xf32, #tpu.memory_space<hbm>>
    tpu.enqueue_indirect_dma source(%dma_start3A_57 : memref<100000x64xf32, #tpu.memory_space<hbm>>) target(%dma_start3A_52 : memref<80x64xf32, #tpu.memory_space<vmem>>) offsets(%dma_start3A_54 : memref<80xi32, #tpu.memory_space<vmem>>) semaphore(%arg8 : memref<!tpu.dma_semaphore, #tpu.memory_space<semaphore_mem>>)
    %dma_start3A_58 = arith.constant 560 : i32
    %dma_start3A_59 = arith.constant 0 : i32
    %dma_start3A_60 = tpu.memref_slice %arg6[%dma_start3A_58, %dma_start3A_59] : memref<1600x64xf32, #tpu.memory_space<vmem>> -> memref<80x64xf32, #tpu.memory_space<vmem>>
    %dma_start3A_61 = arith.constant 560 : i32
    %dma_start3A_62 = tpu.memref_slice %arg5[%dma_start3A_61] : memref<1600xi32, #tpu.memory_space<vmem>> -> memref<80xi32, #tpu.memory_space<vmem>>
    %dma_start3A_63 = arith.constant 0 : i32
    %dma_start3A_64 = arith.constant 0 : i32
    %dma_start3A_65 = tpu.memref_slice %arg2[%dma_start3A_63, %dma_start3A_64] : memref<100000x64xf32, #tpu.memory_space<hbm>> -> memref<100000x64xf32, #tpu.memory_space<hbm>>
    tpu.enqueue_indirect_dma source(%dma_start3A_65 : memref<100000x64xf32, #tpu.memory_space<hbm>>) target(%dma_start3A_60 : memref<80x64xf32, #tpu.memory_space<vmem>>) offsets(%dma_start3A_62 : memref<80xi32, #tpu.memory_space<vmem>>) semaphore(%arg8 : memref<!tpu.dma_semaphore, #tpu.memory_space<semaphore_mem>>)
    %dma_start3A_66 = arith.constant 640 : i32
    %dma_start3A_67 = arith.constant 0 : i32
    %dma_start3A_68 = tpu.memref_slice %arg6[%dma_start3A_66, %dma_start3A_67] : memref<1600x64xf32, #tpu.memory_space<vmem>> -> memref<80x64xf32, #tpu.memory_space<vmem>>
    %dma_start3A_69 = arith.constant 640 : i32
    %dma_start3A_70 = tpu.memref_slice %arg5[%dma_start3A_69] : memref<1600xi32, #tpu.memory_space<vmem>> -> memref<80xi32, #tpu.memory_space<vmem>>
    %dma_start3A_71 = arith.constant 0 : i32
    %dma_start3A_72 = arith.constant 0 : i32
    %dma_start3A_73 = tpu.memref_slice %arg2[%dma_start3A_71, %dma_start3A_72] : memref<100000x64xf32, #tpu.memory_space<hbm>> -> memref<100000x64xf32, #tpu.memory_space<hbm>>
    tpu.enqueue_indirect_dma source(%dma_start3A_73 : memref<100000x64xf32, #tpu.memory_space<hbm>>) target(%dma_start3A_68 : memref<80x64xf32, #tpu.memory_space<vmem>>) offsets(%dma_start3A_70 : memref<80xi32, #tpu.memory_space<vmem>>) semaphore(%arg8 : memref<!tpu.dma_semaphore, #tpu.memory_space<semaphore_mem>>)
    %dma_start3A_74 = arith.constant 720 : i32
    %dma_start3A_75 = arith.constant 0 : i32
    %dma_start3A_76 = tpu.memref_slice %arg6[%dma_start3A_74, %dma_start3A_75] : memref<1600x64xf32, #tpu.memory_space<vmem>> -> memref<80x64xf32, #tpu.memory_space<vmem>>
    %dma_start3A_77 = arith.constant 720 : i32
    %dma_start3A_78 = tpu.memref_slice %arg5[%dma_start3A_77] : memref<1600xi32, #tpu.memory_space<vmem>> -> memref<80xi32, #tpu.memory_space<vmem>>
    %dma_start3A_79 = arith.constant 0 : i32
    %dma_start3A_80 = arith.constant 0 : i32
    %dma_start3A_81 = tpu.memref_slice %arg2[%dma_start3A_79, %dma_start3A_80] : memref<100000x64xf32, #tpu.memory_space<hbm>> -> memref<100000x64xf32, #tpu.memory_space<hbm>>
    tpu.enqueue_indirect_dma source(%dma_start3A_81 : memref<100000x64xf32, #tpu.memory_space<hbm>>) target(%dma_start3A_76 : memref<80x64xf32, #tpu.memory_space<vmem>>) offsets(%dma_start3A_78 : memref<80xi32, #tpu.memory_space<vmem>>) semaphore(%arg8 : memref<!tpu.dma_semaphore, #tpu.memory_space<semaphore_mem>>)
    %dma_start3A_82 = arith.constant 800 : i32
    %dma_start3A_83 = arith.constant 0 : i32
    %dma_start3A_84 = tpu.memref_slice %arg6[%dma_start3A_82, %dma_start3A_83] : memref<1600x64xf32, #tpu.memory_space<vmem>> -> memref<80x64xf32, #tpu.memory_space<vmem>>
    %dma_start3A_85 = arith.constant 800 : i32
    %dma_start3A_86 = tpu.memref_slice %arg5[%dma_start3A_85] : memref<1600xi32, #tpu.memory_space<vmem>> -> memref<80xi32, #tpu.memory_space<vmem>>
    %dma_start3A_87 = arith.constant 0 : i32
    %dma_start3A_88 = arith.constant 0 : i32
    %dma_start3A_89 = tpu.memref_slice %arg2[%dma_start3A_87, %dma_start3A_88] : memref<100000x64xf32, #tpu.memory_space<hbm>> -> memref<100000x64xf32, #tpu.memory_space<hbm>>
    tpu.enqueue_indirect_dma source(%dma_start3A_89 : memref<100000x64xf32, #tpu.memory_space<hbm>>) target(%dma_start3A_84 : memref<80x64xf32, #tpu.memory_space<vmem>>) offsets(%dma_start3A_86 : memref<80xi32, #tpu.memory_space<vmem>>) semaphore(%arg8 : memref<!tpu.dma_semaphore, #tpu.memory_space<semaphore_mem>>)
    %dma_start3A_90 = arith.constant 880 : i32
    %dma_start3A_91 = arith.constant 0 : i32
    %dma_start3A_92 = tpu.memref_slice %arg6[%dma_start3A_90, %dma_start3A_91] : memref<1600x64xf32, #tpu.memory_space<vmem>> -> memref<80x64xf32, #tpu.memory_space<vmem>>
    %dma_start3A_93 = arith.constant 880 : i32
    %dma_start3A_94 = tpu.memref_slice %arg5[%dma_start3A_93] : memref<1600xi32, #tpu.memory_space<vmem>> -> memref<80xi32, #tpu.memory_space<vmem>>
    %dma_start3A_95 = arith.constant 0 : i32
    %dma_start3A_96 = arith.constant 0 : i32
    %dma_start3A_97 = tpu.memref_slice %arg2[%dma_start3A_95, %dma_start3A_96] : memref<100000x64xf32, #tpu.memory_space<hbm>> -> memref<100000x64xf32, #tpu.memory_space<hbm>>
    tpu.enqueue_indirect_dma source(%dma_start3A_97 : memref<100000x64xf32, #tpu.memory_space<hbm>>) target(%dma_start3A_92 : memref<80x64xf32, #tpu.memory_space<vmem>>) offsets(%dma_start3A_94 : memref<80xi32, #tpu.memory_space<vmem>>) semaphore(%arg8 : memref<!tpu.dma_semaphore, #tpu.memory_space<semaphore_mem>>)
    %dma_start3A_98 = arith.constant 960 : i32
    %dma_start3A_99 = arith.constant 0 : i32
    %dma_start3A_100 = tpu.memref_slice %arg6[%dma_start3A_98, %dma_start3A_99] : memref<1600x64xf32, #tpu.memory_space<vmem>> -> memref<80x64xf32, #tpu.memory_space<vmem>>
    %dma_start3A_101 = arith.constant 960 : i32
    %dma_start3A_102 = tpu.memref_slice %arg5[%dma_start3A_101] : memref<1600xi32, #tpu.memory_space<vmem>> -> memref<80xi32, #tpu.memory_space<vmem>>
    %dma_start3A_103 = arith.constant 0 : i32
    %dma_start3A_104 = arith.constant 0 : i32
    %dma_start3A_105 = tpu.memref_slice %arg2[%dma_start3A_103, %dma_start3A_104] : memref<100000x64xf32, #tpu.memory_space<hbm>> -> memref<100000x64xf32, #tpu.memory_space<hbm>>
    tpu.enqueue_indirect_dma source(%dma_start3A_105 : memref<100000x64xf32, #tpu.memory_space<hbm>>) target(%dma_start3A_100 : memref<80x64xf32, #tpu.memory_space<vmem>>) offsets(%dma_start3A_102 : memref<80xi32, #tpu.memory_space<vmem>>) semaphore(%arg8 : memref<!tpu.dma_semaphore, #tpu.memory_space<semaphore_mem>>)
    %dma_start3A_106 = arith.constant 1040 : i32
    %dma_start3A_107 = arith.constant 0 : i32
    %dma_start3A_108 = tpu.memref_slice %arg6[%dma_start3A_106, %dma_start3A_107] : memref<1600x64xf32, #tpu.memory_space<vmem>> -> memref<80x64xf32, #tpu.memory_space<vmem>>
    %dma_start3A_109 = arith.constant 1040 : i32
    %dma_start3A_110 = tpu.memref_slice %arg5[%dma_start3A_109] : memref<1600xi32, #tpu.memory_space<vmem>> -> memref<80xi32, #tpu.memory_space<vmem>>
    %dma_start3A_111 = arith.constant 0 : i32
    %dma_start3A_112 = arith.constant 0 : i32
    %dma_start3A_113 = tpu.memref_slice %arg2[%dma_start3A_111, %dma_start3A_112] : memref<100000x64xf32, #tpu.memory_space<hbm>> -> memref<100000x64xf32, #tpu.memory_space<hbm>>
    tpu.enqueue_indirect_dma source(%dma_start3A_113 : memref<100000x64xf32, #tpu.memory_space<hbm>>) target(%dma_start3A_108 : memref<80x64xf32, #tpu.memory_space<vmem>>) offsets(%dma_start3A_110 : memref<80xi32, #tpu.memory_space<vmem>>) semaphore(%arg8 : memref<!tpu.dma_semaphore, #tpu.memory_space<semaphore_mem>>)
    %dma_start3A_114 = arith.constant 1120 : i32
    %dma_start3A_115 = arith.constant 0 : i32
    %dma_start3A_116 = tpu.memref_slice %arg6[%dma_start3A_114, %dma_start3A_115] : memref<1600x64xf32, #tpu.memory_space<vmem>> -> memref<80x64xf32, #tpu.memory_space<vmem>>
    %dma_start3A_117 = arith.constant 1120 : i32
    %dma_start3A_118 = tpu.memref_slice %arg5[%dma_start3A_117] : memref<1600xi32, #tpu.memory_space<vmem>> -> memref<80xi32, #tpu.memory_space<vmem>>
    %dma_start3A_119 = arith.constant 0 : i32
    %dma_start3A_120 = arith.constant 0 : i32
    %dma_start3A_121 = tpu.memref_slice %arg2[%dma_start3A_119, %dma_start3A_120] : memref<100000x64xf32, #tpu.memory_space<hbm>> -> memref<100000x64xf32, #tpu.memory_space<hbm>>
    tpu.enqueue_indirect_dma source(%dma_start3A_121 : memref<100000x64xf32, #tpu.memory_space<hbm>>) target(%dma_start3A_116 : memref<80x64xf32, #tpu.memory_space<vmem>>) offsets(%dma_start3A_118 : memref<80xi32, #tpu.memory_space<vmem>>) semaphore(%arg8 : memref<!tpu.dma_semaphore, #tpu.memory_space<semaphore_mem>>)
    %dma_start3A_122 = arith.constant 1200 : i32
    %dma_start3A_123 = arith.constant 0 : i32
    %dma_start3A_124 = tpu.memref_slice %arg6[%dma_start3A_122, %dma_start3A_123] : memref<1600x64xf32, #tpu.memory_space<vmem>> -> memref<80x64xf32, #tpu.memory_space<vmem>>
    %dma_start3A_125 = arith.constant 1200 : i32
    %dma_start3A_126 = tpu.memref_slice %arg5[%dma_start3A_125] : memref<1600xi32, #tpu.memory_space<vmem>> -> memref<80xi32, #tpu.memory_space<vmem>>
    %dma_start3A_127 = arith.constant 0 : i32
    %dma_start3A_128 = arith.constant 0 : i32
    %dma_start3A_129 = tpu.memref_slice %arg2[%dma_start3A_127, %dma_start3A_128] : memref<100000x64xf32, #tpu.memory_space<hbm>> -> memref<100000x64xf32, #tpu.memory_space<hbm>>
    tpu.enqueue_indirect_dma source(%dma_start3A_129 : memref<100000x64xf32, #tpu.memory_space<hbm>>) target(%dma_start3A_124 : memref<80x64xf32, #tpu.memory_space<vmem>>) offsets(%dma_start3A_126 : memref<80xi32, #tpu.memory_space<vmem>>) semaphore(%arg8 : memref<!tpu.dma_semaphore, #tpu.memory_space<semaphore_mem>>)
    %dma_start3A_130 = arith.constant 1280 : i32
    %dma_start3A_131 = arith.constant 0 : i32
    %dma_start3A_132 = tpu.memref_slice %arg6[%dma_start3A_130, %dma_start3A_131] : memref<1600x64xf32, #tpu.memory_space<vmem>> -> memref<80x64xf32, #tpu.memory_space<vmem>>
    %dma_start3A_133 = arith.constant 1280 : i32
    %dma_start3A_134 = tpu.memref_slice %arg5[%dma_start3A_133] : memref<1600xi32, #tpu.memory_space<vmem>> -> memref<80xi32, #tpu.memory_space<vmem>>
    %dma_start3A_135 = arith.constant 0 : i32
    %dma_start3A_136 = arith.constant 0 : i32
    %dma_start3A_137 = tpu.memref_slice %arg2[%dma_start3A_135, %dma_start3A_136] : memref<100000x64xf32, #tpu.memory_space<hbm>> -> memref<100000x64xf32, #tpu.memory_space<hbm>>
    tpu.enqueue_indirect_dma source(%dma_start3A_137 : memref<100000x64xf32, #tpu.memory_space<hbm>>) target(%dma_start3A_132 : memref<80x64xf32, #tpu.memory_space<vmem>>) offsets(%dma_start3A_134 : memref<80xi32, #tpu.memory_space<vmem>>) semaphore(%arg8 : memref<!tpu.dma_semaphore, #tpu.memory_space<semaphore_mem>>)
    %dma_start3A_138 = arith.constant 1360 : i32
    %dma_start3A_139 = arith.constant 0 : i32
    %dma_start3A_140 = tpu.memref_slice %arg6[%dma_start3A_138, %dma_start3A_139] : memref<1600x64xf32, #tpu.memory_space<vmem>> -> memref<80x64xf32, #tpu.memory_space<vmem>>
    %dma_start3A_141 = arith.constant 1360 : i32
    %dma_start3A_142 = tpu.memref_slice %arg5[%dma_start3A_141] : memref<1600xi32, #tpu.memory_space<vmem>> -> memref<80xi32, #tpu.memory_space<vmem>>
    %dma_start3A_143 = arith.constant 0 : i32
    %dma_start3A_144 = arith.constant 0 : i32
    %dma_start3A_145 = tpu.memref_slice %arg2[%dma_start3A_143, %dma_start3A_144] : memref<100000x64xf32, #tpu.memory_space<hbm>> -> memref<100000x64xf32, #tpu.memory_space<hbm>>
    tpu.enqueue_indirect_dma source(%dma_start3A_145 : memref<100000x64xf32, #tpu.memory_space<hbm>>) target(%dma_start3A_140 : memref<80x64xf32, #tpu.memory_space<vmem>>) offsets(%dma_start3A_142 : memref<80xi32, #tpu.memory_space<vmem>>) semaphore(%arg8 : memref<!tpu.dma_semaphore, #tpu.memory_space<semaphore_mem>>)
    %dma_start3A_146 = arith.constant 1440 : i32
    %dma_start3A_147 = arith.constant 0 : i32
    %dma_start3A_148 = tpu.memref_slice %arg6[%dma_start3A_146, %dma_start3A_147] : memref<1600x64xf32, #tpu.memory_space<vmem>> -> memref<80x64xf32, #tpu.memory_space<vmem>>
    %dma_start3A_149 = arith.constant 1440 : i32
    %dma_start3A_150 = tpu.memref_slice %arg5[%dma_start3A_149] : memref<1600xi32, #tpu.memory_space<vmem>> -> memref<80xi32, #tpu.memory_space<vmem>>
    %dma_start3A_151 = arith.constant 0 : i32
    %dma_start3A_152 = arith.constant 0 : i32
    %dma_start3A_153 = tpu.memref_slice %arg2[%dma_start3A_151, %dma_start3A_152] : memref<100000x64xf32, #tpu.memory_space<hbm>> -> memref<100000x64xf32, #tpu.memory_space<hbm>>
    tpu.enqueue_indirect_dma source(%dma_start3A_153 : memref<100000x64xf32, #tpu.memory_space<hbm>>) target(%dma_start3A_148 : memref<80x64xf32, #tpu.memory_space<vmem>>) offsets(%dma_start3A_150 : memref<80xi32, #tpu.memory_space<vmem>>) semaphore(%arg8 : memref<!tpu.dma_semaphore, #tpu.memory_space<semaphore_mem>>)
    %dma_start3A_154 = arith.constant 1520 : i32
    %dma_start3A_155 = arith.constant 0 : i32
    %dma_start3A_156 = tpu.memref_slice %arg6[%dma_start3A_154, %dma_start3A_155] : memref<1600x64xf32, #tpu.memory_space<vmem>> -> memref<80x64xf32, #tpu.memory_space<vmem>>
    %dma_start3A_157 = arith.constant 1520 : i32
    %dma_start3A_158 = tpu.memref_slice %arg5[%dma_start3A_157] : memref<1600xi32, #tpu.memory_space<vmem>> -> memref<80xi32, #tpu.memory_space<vmem>>
    %dma_start3A_159 = arith.constant 0 : i32
    %dma_start3A_160 = arith.constant 0 : i32
    %dma_start3A_161 = tpu.memref_slice %arg2[%dma_start3A_159, %dma_start3A_160] : memref<100000x64xf32, #tpu.memory_space<hbm>> -> memref<100000x64xf32, #tpu.memory_space<hbm>>
    tpu.enqueue_indirect_dma source(%dma_start3A_161 : memref<100000x64xf32, #tpu.memory_space<hbm>>) target(%dma_start3A_156 : memref<80x64xf32, #tpu.memory_space<vmem>>) offsets(%dma_start3A_158 : memref<80xi32, #tpu.memory_space<vmem>>) semaphore(%arg8 : memref<!tpu.dma_semaphore, #tpu.memory_space<semaphore_mem>>)
    %dma_wait3A = arith.constant 0 : i32
    %dma_wait3A_162 = arith.constant 0 : i32
    %dma_wait3A_163 = tpu.memref_slice %arg6[%dma_wait3A, %dma_wait3A_162] : memref<1600x64xf32, #tpu.memory_space<vmem>> -> memref<80x64xf32, #tpu.memory_space<vmem>>
    %dma_wait3A_164 = arith.constant 0 : i32
    %dma_wait3A_165 = tpu.memref_slice %arg5[%dma_wait3A_164] : memref<1600xi32, #tpu.memory_space<vmem>> -> memref<80xi32, #tpu.memory_space<vmem>>
    %dma_wait3A_166 = arith.constant 0 : i32
    %dma_wait3A_167 = arith.constant 0 : i32
    %dma_wait3A_168 = tpu.memref_slice %arg2[%dma_wait3A_166, %dma_wait3A_167] : memref<100000x64xf32, #tpu.memory_space<hbm>> -> memref<100000x64xf32, #tpu.memory_space<hbm>>
    tpu.wait_indirect_dma semaphore(%arg8 : memref<!tpu.dma_semaphore, #tpu.memory_space<semaphore_mem>>) src(%dma_wait3A_168 : memref<100000x64xf32, #tpu.memory_space<hbm>>) dst(%dma_wait3A_163 : memref<80x64xf32, #tpu.memory_space<vmem>>)
    %dma_wait3A_169 = arith.constant 80 : i32
    %dma_wait3A_170 = arith.constant 0 : i32
    %dma_wait3A_171 = tpu.memref_slice %arg6[%dma_wait3A_169, %dma_wait3A_170] : memref<1600x64xf32, #tpu.memory_space<vmem>> -> memref<80x64xf32, #tpu.memory_space<vmem>>
    %dma_wait3A_172 = arith.constant 80 : i32
    %dma_wait3A_173 = tpu.memref_slice %arg5[%dma_wait3A_172] : memref<1600xi32, #tpu.memory_space<vmem>> -> memref<80xi32, #tpu.memory_space<vmem>>
    %dma_wait3A_174 = arith.constant 0 : i32
    %dma_wait3A_175 = arith.constant 0 : i32
    %dma_wait3A_176 = tpu.memref_slice %arg2[%dma_wait3A_174, %dma_wait3A_175] : memref<100000x64xf32, #tpu.memory_space<hbm>> -> memref<100000x64xf32, #tpu.memory_space<hbm>>
    tpu.wait_indirect_dma semaphore(%arg8 : memref<!tpu.dma_semaphore, #tpu.memory_space<semaphore_mem>>) src(%dma_wait3A_176 : memref<100000x64xf32, #tpu.memory_space<hbm>>) dst(%dma_wait3A_171 : memref<80x64xf32, #tpu.memory_space<vmem>>)
    %dma_wait3A_177 = arith.constant 160 : i32
    %dma_wait3A_178 = arith.constant 0 : i32
    %dma_wait3A_179 = tpu.memref_slice %arg6[%dma_wait3A_177, %dma_wait3A_178] : memref<1600x64xf32, #tpu.memory_space<vmem>> -> memref<80x64xf32, #tpu.memory_space<vmem>>
    %dma_wait3A_180 = arith.constant 160 : i32
    %dma_wait3A_181 = tpu.memref_slice %arg5[%dma_wait3A_180] : memref<1600xi32, #tpu.memory_space<vmem>> -> memref<80xi32, #tpu.memory_space<vmem>>
    %dma_wait3A_182 = arith.constant 0 : i32
    %dma_wait3A_183 = arith.constant 0 : i32
    %dma_wait3A_184 = tpu.memref_slice %arg2[%dma_wait3A_182, %dma_wait3A_183] : memref<100000x64xf32, #tpu.memory_space<hbm>> -> memref<100000x64xf32, #tpu.memory_space<hbm>>
    tpu.wait_indirect_dma semaphore(%arg8 : memref<!tpu.dma_semaphore, #tpu.memory_space<semaphore_mem>>) src(%dma_wait3A_184 : memref<100000x64xf32, #tpu.memory_space<hbm>>) dst(%dma_wait3A_179 : memref<80x64xf32, #tpu.memory_space<vmem>>)
    %dma_wait3A_185 = arith.constant 240 : i32
    %dma_wait3A_186 = arith.constant 0 : i32
    %dma_wait3A_187 = tpu.memref_slice %arg6[%dma_wait3A_185, %dma_wait3A_186] : memref<1600x64xf32, #tpu.memory_space<vmem>> -> memref<80x64xf32, #tpu.memory_space<vmem>>
    %dma_wait3A_188 = arith.constant 240 : i32
    %dma_wait3A_189 = tpu.memref_slice %arg5[%dma_wait3A_188] : memref<1600xi32, #tpu.memory_space<vmem>> -> memref<80xi32, #tpu.memory_space<vmem>>
    %dma_wait3A_190 = arith.constant 0 : i32
    %dma_wait3A_191 = arith.constant 0 : i32
    %dma_wait3A_192 = tpu.memref_slice %arg2[%dma_wait3A_190, %dma_wait3A_191] : memref<100000x64xf32, #tpu.memory_space<hbm>> -> memref<100000x64xf32, #tpu.memory_space<hbm>>
    tpu.wait_indirect_dma semaphore(%arg8 : memref<!tpu.dma_semaphore, #tpu.memory_space<semaphore_mem>>) src(%dma_wait3A_192 : memref<100000x64xf32, #tpu.memory_space<hbm>>) dst(%dma_wait3A_187 : memref<80x64xf32, #tpu.memory_space<vmem>>)
    %dma_wait3A_193 = arith.constant 320 : i32
    %dma_wait3A_194 = arith.constant 0 : i32
    %dma_wait3A_195 = tpu.memref_slice %arg6[%dma_wait3A_193, %dma_wait3A_194] : memref<1600x64xf32, #tpu.memory_space<vmem>> -> memref<80x64xf32, #tpu.memory_space<vmem>>
    %dma_wait3A_196 = arith.constant 320 : i32
    %dma_wait3A_197 = tpu.memref_slice %arg5[%dma_wait3A_196] : memref<1600xi32, #tpu.memory_space<vmem>> -> memref<80xi32, #tpu.memory_space<vmem>>
    %dma_wait3A_198 = arith.constant 0 : i32
    %dma_wait3A_199 = arith.constant 0 : i32
    %dma_wait3A_200 = tpu.memref_slice %arg2[%dma_wait3A_198, %dma_wait3A_199] : memref<100000x64xf32, #tpu.memory_space<hbm>> -> memref<100000x64xf32, #tpu.memory_space<hbm>>
    tpu.wait_indirect_dma semaphore(%arg8 : memref<!tpu.dma_semaphore, #tpu.memory_space<semaphore_mem>>) src(%dma_wait3A_200 : memref<100000x64xf32, #tpu.memory_space<hbm>>) dst(%dma_wait3A_195 : memref<80x64xf32, #tpu.memory_space<vmem>>)
    %dma_wait3A_201 = arith.constant 400 : i32
    %dma_wait3A_202 = arith.constant 0 : i32
    %dma_wait3A_203 = tpu.memref_slice %arg6[%dma_wait3A_201, %dma_wait3A_202] : memref<1600x64xf32, #tpu.memory_space<vmem>> -> memref<80x64xf32, #tpu.memory_space<vmem>>
    %dma_wait3A_204 = arith.constant 400 : i32
    %dma_wait3A_205 = tpu.memref_slice %arg5[%dma_wait3A_204] : memref<1600xi32, #tpu.memory_space<vmem>> -> memref<80xi32, #tpu.memory_space<vmem>>
    %dma_wait3A_206 = arith.constant 0 : i32
    %dma_wait3A_207 = arith.constant 0 : i32
    %dma_wait3A_208 = tpu.memref_slice %arg2[%dma_wait3A_206, %dma_wait3A_207] : memref<100000x64xf32, #tpu.memory_space<hbm>> -> memref<100000x64xf32, #tpu.memory_space<hbm>>
    tpu.wait_indirect_dma semaphore(%arg8 : memref<!tpu.dma_semaphore, #tpu.memory_space<semaphore_mem>>) src(%dma_wait3A_208 : memref<100000x64xf32, #tpu.memory_space<hbm>>) dst(%dma_wait3A_203 : memref<80x64xf32, #tpu.memory_space<vmem>>)
    %dma_wait3A_209 = arith.constant 480 : i32
    %dma_wait3A_210 = arith.constant 0 : i32
    %dma_wait3A_211 = tpu.memref_slice %arg6[%dma_wait3A_209, %dma_wait3A_210] : memref<1600x64xf32, #tpu.memory_space<vmem>> -> memref<80x64xf32, #tpu.memory_space<vmem>>
    %dma_wait3A_212 = arith.constant 480 : i32
    %dma_wait3A_213 = tpu.memref_slice %arg5[%dma_wait3A_212] : memref<1600xi32, #tpu.memory_space<vmem>> -> memref<80xi32, #tpu.memory_space<vmem>>
    %dma_wait3A_214 = arith.constant 0 : i32
    %dma_wait3A_215 = arith.constant 0 : i32
    %dma_wait3A_216 = tpu.memref_slice %arg2[%dma_wait3A_214, %dma_wait3A_215] : memref<100000x64xf32, #tpu.memory_space<hbm>> -> memref<100000x64xf32, #tpu.memory_space<hbm>>
    tpu.wait_indirect_dma semaphore(%arg8 : memref<!tpu.dma_semaphore, #tpu.memory_space<semaphore_mem>>) src(%dma_wait3A_216 : memref<100000x64xf32, #tpu.memory_space<hbm>>) dst(%dma_wait3A_211 : memref<80x64xf32, #tpu.memory_space<vmem>>)
    %dma_wait3A_217 = arith.constant 560 : i32
    %dma_wait3A_218 = arith.constant 0 : i32
    %dma_wait3A_219 = tpu.memref_slice %arg6[%dma_wait3A_217, %dma_wait3A_218] : memref<1600x64xf32, #tpu.memory_space<vmem>> -> memref<80x64xf32, #tpu.memory_space<vmem>>
    %dma_wait3A_220 = arith.constant 560 : i32
    %dma_wait3A_221 = tpu.memref_slice %arg5[%dma_wait3A_220] : memref<1600xi32, #tpu.memory_space<vmem>> -> memref<80xi32, #tpu.memory_space<vmem>>
    %dma_wait3A_222 = arith.constant 0 : i32
    %dma_wait3A_223 = arith.constant 0 : i32
    %dma_wait3A_224 = tpu.memref_slice %arg2[%dma_wait3A_222, %dma_wait3A_223] : memref<100000x64xf32, #tpu.memory_space<hbm>> -> memref<100000x64xf32, #tpu.memory_space<hbm>>
    tpu.wait_indirect_dma semaphore(%arg8 : memref<!tpu.dma_semaphore, #tpu.memory_space<semaphore_mem>>) src(%dma_wait3A_224 : memref<100000x64xf32, #tpu.memory_space<hbm>>) dst(%dma_wait3A_219 : memref<80x64xf32, #tpu.memory_space<vmem>>)
    %dma_wait3A_225 = arith.constant 640 : i32
    %dma_wait3A_226 = arith.constant 0 : i32
    %dma_wait3A_227 = tpu.memref_slice %arg6[%dma_wait3A_225, %dma_wait3A_226] : memref<1600x64xf32, #tpu.memory_space<vmem>> -> memref<80x64xf32, #tpu.memory_space<vmem>>
    %dma_wait3A_228 = arith.constant 640 : i32
    %dma_wait3A_229 = tpu.memref_slice %arg5[%dma_wait3A_228] : memref<1600xi32, #tpu.memory_space<vmem>> -> memref<80xi32, #tpu.memory_space<vmem>>
    %dma_wait3A_230 = arith.constant 0 : i32
    %dma_wait3A_231 = arith.constant 0 : i32
    %dma_wait3A_232 = tpu.memref_slice %arg2[%dma_wait3A_230, %dma_wait3A_231] : memref<100000x64xf32, #tpu.memory_space<hbm>> -> memref<100000x64xf32, #tpu.memory_space<hbm>>
    tpu.wait_indirect_dma semaphore(%arg8 : memref<!tpu.dma_semaphore, #tpu.memory_space<semaphore_mem>>) src(%dma_wait3A_232 : memref<100000x64xf32, #tpu.memory_space<hbm>>) dst(%dma_wait3A_227 : memref<80x64xf32, #tpu.memory_space<vmem>>)
    %dma_wait3A_233 = arith.constant 720 : i32
    %dma_wait3A_234 = arith.constant 0 : i32
    %dma_wait3A_235 = tpu.memref_slice %arg6[%dma_wait3A_233, %dma_wait3A_234] : memref<1600x64xf32, #tpu.memory_space<vmem>> -> memref<80x64xf32, #tpu.memory_space<vmem>>
    %dma_wait3A_236 = arith.constant 720 : i32
    %dma_wait3A_237 = tpu.memref_slice %arg5[%dma_wait3A_236] : memref<1600xi32, #tpu.memory_space<vmem>> -> memref<80xi32, #tpu.memory_space<vmem>>
    %dma_wait3A_238 = arith.constant 0 : i32
    %dma_wait3A_239 = arith.constant 0 : i32
    %dma_wait3A_240 = tpu.memref_slice %arg2[%dma_wait3A_238, %dma_wait3A_239] : memref<100000x64xf32, #tpu.memory_space<hbm>> -> memref<100000x64xf32, #tpu.memory_space<hbm>>
    tpu.wait_indirect_dma semaphore(%arg8 : memref<!tpu.dma_semaphore, #tpu.memory_space<semaphore_mem>>) src(%dma_wait3A_240 : memref<100000x64xf32, #tpu.memory_space<hbm>>) dst(%dma_wait3A_235 : memref<80x64xf32, #tpu.memory_space<vmem>>)
    %dma_wait3A_241 = arith.constant 800 : i32
    %dma_wait3A_242 = arith.constant 0 : i32
    %dma_wait3A_243 = tpu.memref_slice %arg6[%dma_wait3A_241, %dma_wait3A_242] : memref<1600x64xf32, #tpu.memory_space<vmem>> -> memref<80x64xf32, #tpu.memory_space<vmem>>
    %dma_wait3A_244 = arith.constant 800 : i32
    %dma_wait3A_245 = tpu.memref_slice %arg5[%dma_wait3A_244] : memref<1600xi32, #tpu.memory_space<vmem>> -> memref<80xi32, #tpu.memory_space<vmem>>
    %dma_wait3A_246 = arith.constant 0 : i32
    %dma_wait3A_247 = arith.constant 0 : i32
    %dma_wait3A_248 = tpu.memref_slice %arg2[%dma_wait3A_246, %dma_wait3A_247] : memref<100000x64xf32, #tpu.memory_space<hbm>> -> memref<100000x64xf32, #tpu.memory_space<hbm>>
    tpu.wait_indirect_dma semaphore(%arg8 : memref<!tpu.dma_semaphore, #tpu.memory_space<semaphore_mem>>) src(%dma_wait3A_248 : memref<100000x64xf32, #tpu.memory_space<hbm>>) dst(%dma_wait3A_243 : memref<80x64xf32, #tpu.memory_space<vmem>>)
    %dma_wait3A_249 = arith.constant 880 : i32
    %dma_wait3A_250 = arith.constant 0 : i32
    %dma_wait3A_251 = tpu.memref_slice %arg6[%dma_wait3A_249, %dma_wait3A_250] : memref<1600x64xf32, #tpu.memory_space<vmem>> -> memref<80x64xf32, #tpu.memory_space<vmem>>
    %dma_wait3A_252 = arith.constant 880 : i32
    %dma_wait3A_253 = tpu.memref_slice %arg5[%dma_wait3A_252] : memref<1600xi32, #tpu.memory_space<vmem>> -> memref<80xi32, #tpu.memory_space<vmem>>
    %dma_wait3A_254 = arith.constant 0 : i32
    %dma_wait3A_255 = arith.constant 0 : i32
    %dma_wait3A_256 = tpu.memref_slice %arg2[%dma_wait3A_254, %dma_wait3A_255] : memref<100000x64xf32, #tpu.memory_space<hbm>> -> memref<100000x64xf32, #tpu.memory_space<hbm>>
    tpu.wait_indirect_dma semaphore(%arg8 : memref<!tpu.dma_semaphore, #tpu.memory_space<semaphore_mem>>) src(%dma_wait3A_256 : memref<100000x64xf32, #tpu.memory_space<hbm>>) dst(%dma_wait3A_251 : memref<80x64xf32, #tpu.memory_space<vmem>>)
    %dma_wait3A_257 = arith.constant 960 : i32
    %dma_wait3A_258 = arith.constant 0 : i32
    %dma_wait3A_259 = tpu.memref_slice %arg6[%dma_wait3A_257, %dma_wait3A_258] : memref<1600x64xf32, #tpu.memory_space<vmem>> -> memref<80x64xf32, #tpu.memory_space<vmem>>
    %dma_wait3A_260 = arith.constant 960 : i32
    %dma_wait3A_261 = tpu.memref_slice %arg5[%dma_wait3A_260] : memref<1600xi32, #tpu.memory_space<vmem>> -> memref<80xi32, #tpu.memory_space<vmem>>
    %dma_wait3A_262 = arith.constant 0 : i32
    %dma_wait3A_263 = arith.constant 0 : i32
    %dma_wait3A_264 = tpu.memref_slice %arg2[%dma_wait3A_262, %dma_wait3A_263] : memref<100000x64xf32, #tpu.memory_space<hbm>> -> memref<100000x64xf32, #tpu.memory_space<hbm>>
    tpu.wait_indirect_dma semaphore(%arg8 : memref<!tpu.dma_semaphore, #tpu.memory_space<semaphore_mem>>) src(%dma_wait3A_264 : memref<100000x64xf32, #tpu.memory_space<hbm>>) dst(%dma_wait3A_259 : memref<80x64xf32, #tpu.memory_space<vmem>>)
    %dma_wait3A_265 = arith.constant 1040 : i32
    %dma_wait3A_266 = arith.constant 0 : i32
    %dma_wait3A_267 = tpu.memref_slice %arg6[%dma_wait3A_265, %dma_wait3A_266] : memref<1600x64xf32, #tpu.memory_space<vmem>> -> memref<80x64xf32, #tpu.memory_space<vmem>>
    %dma_wait3A_268 = arith.constant 1040 : i32
    %dma_wait3A_269 = tpu.memref_slice %arg5[%dma_wait3A_268] : memref<1600xi32, #tpu.memory_space<vmem>> -> memref<80xi32, #tpu.memory_space<vmem>>
    %dma_wait3A_270 = arith.constant 0 : i32
    %dma_wait3A_271 = arith.constant 0 : i32
    %dma_wait3A_272 = tpu.memref_slice %arg2[%dma_wait3A_270, %dma_wait3A_271] : memref<100000x64xf32, #tpu.memory_space<hbm>> -> memref<100000x64xf32, #tpu.memory_space<hbm>>
    tpu.wait_indirect_dma semaphore(%arg8 : memref<!tpu.dma_semaphore, #tpu.memory_space<semaphore_mem>>) src(%dma_wait3A_272 : memref<100000x64xf32, #tpu.memory_space<hbm>>) dst(%dma_wait3A_267 : memref<80x64xf32, #tpu.memory_space<vmem>>)
    %dma_wait3A_273 = arith.constant 1120 : i32
    %dma_wait3A_274 = arith.constant 0 : i32
    %dma_wait3A_275 = tpu.memref_slice %arg6[%dma_wait3A_273, %dma_wait3A_274] : memref<1600x64xf32, #tpu.memory_space<vmem>> -> memref<80x64xf32, #tpu.memory_space<vmem>>
    %dma_wait3A_276 = arith.constant 1120 : i32
    %dma_wait3A_277 = tpu.memref_slice %arg5[%dma_wait3A_276] : memref<1600xi32, #tpu.memory_space<vmem>> -> memref<80xi32, #tpu.memory_space<vmem>>
    %dma_wait3A_278 = arith.constant 0 : i32
    %dma_wait3A_279 = arith.constant 0 : i32
    %dma_wait3A_280 = tpu.memref_slice %arg2[%dma_wait3A_278, %dma_wait3A_279] : memref<100000x64xf32, #tpu.memory_space<hbm>> -> memref<100000x64xf32, #tpu.memory_space<hbm>>
    tpu.wait_indirect_dma semaphore(%arg8 : memref<!tpu.dma_semaphore, #tpu.memory_space<semaphore_mem>>) src(%dma_wait3A_280 : memref<100000x64xf32, #tpu.memory_space<hbm>>) dst(%dma_wait3A_275 : memref<80x64xf32, #tpu.memory_space<vmem>>)
    %dma_wait3A_281 = arith.constant 1200 : i32
    %dma_wait3A_282 = arith.constant 0 : i32
    %dma_wait3A_283 = tpu.memref_slice %arg6[%dma_wait3A_281, %dma_wait3A_282] : memref<1600x64xf32, #tpu.memory_space<vmem>> -> memref<80x64xf32, #tpu.memory_space<vmem>>
    %dma_wait3A_284 = arith.constant 1200 : i32
    %dma_wait3A_285 = tpu.memref_slice %arg5[%dma_wait3A_284] : memref<1600xi32, #tpu.memory_space<vmem>> -> memref<80xi32, #tpu.memory_space<vmem>>
    %dma_wait3A_286 = arith.constant 0 : i32
    %dma_wait3A_287 = arith.constant 0 : i32
    %dma_wait3A_288 = tpu.memref_slice %arg2[%dma_wait3A_286, %dma_wait3A_287] : memref<100000x64xf32, #tpu.memory_space<hbm>> -> memref<100000x64xf32, #tpu.memory_space<hbm>>
    tpu.wait_indirect_dma semaphore(%arg8 : memref<!tpu.dma_semaphore, #tpu.memory_space<semaphore_mem>>) src(%dma_wait3A_288 : memref<100000x64xf32, #tpu.memory_space<hbm>>) dst(%dma_wait3A_283 : memref<80x64xf32, #tpu.memory_space<vmem>>)
    %dma_wait3A_289 = arith.constant 1280 : i32
    %dma_wait3A_290 = arith.constant 0 : i32
    %dma_wait3A_291 = tpu.memref_slice %arg6[%dma_wait3A_289, %dma_wait3A_290] : memref<1600x64xf32, #tpu.memory_space<vmem>> -> memref<80x64xf32, #tpu.memory_space<vmem>>
    %dma_wait3A_292 = arith.constant 1280 : i32
    %dma_wait3A_293 = tpu.memref_slice %arg5[%dma_wait3A_292] : memref<1600xi32, #tpu.memory_space<vmem>> -> memref<80xi32, #tpu.memory_space<vmem>>
    %dma_wait3A_294 = arith.constant 0 : i32
    %dma_wait3A_295 = arith.constant 0 : i32
    %dma_wait3A_296 = tpu.memref_slice %arg2[%dma_wait3A_294, %dma_wait3A_295] : memref<100000x64xf32, #tpu.memory_space<hbm>> -> memref<100000x64xf32, #tpu.memory_space<hbm>>
    tpu.wait_indirect_dma semaphore(%arg8 : memref<!tpu.dma_semaphore, #tpu.memory_space<semaphore_mem>>) src(%dma_wait3A_296 : memref<100000x64xf32, #tpu.memory_space<hbm>>) dst(%dma_wait3A_291 : memref<80x64xf32, #tpu.memory_space<vmem>>)
    %dma_wait3A_297 = arith.constant 1360 : i32
    %dma_wait3A_298 = arith.constant 0 : i32
    %dma_wait3A_299 = tpu.memref_slice %arg6[%dma_wait3A_297, %dma_wait3A_298] : memref<1600x64xf32, #tpu.memory_space<vmem>> -> memref<80x64xf32, #tpu.memory_space<vmem>>
    %dma_wait3A_300 = arith.constant 1360 : i32
    %dma_wait3A_301 = tpu.memref_slice %arg5[%dma_wait3A_300] : memref<1600xi32, #tpu.memory_space<vmem>> -> memref<80xi32, #tpu.memory_space<vmem>>
    %dma_wait3A_302 = arith.constant 0 : i32
    %dma_wait3A_303 = arith.constant 0 : i32
    %dma_wait3A_304 = tpu.memref_slice %arg2[%dma_wait3A_302, %dma_wait3A_303] : memref<100000x64xf32, #tpu.memory_space<hbm>> -> memref<100000x64xf32, #tpu.memory_space<hbm>>
    tpu.wait_indirect_dma semaphore(%arg8 : memref<!tpu.dma_semaphore, #tpu.memory_space<semaphore_mem>>) src(%dma_wait3A_304 : memref<100000x64xf32, #tpu.memory_space<hbm>>) dst(%dma_wait3A_299 : memref<80x64xf32, #tpu.memory_space<vmem>>)
    %dma_wait3A_305 = arith.constant 1440 : i32
    %dma_wait3A_306 = arith.constant 0 : i32
    %dma_wait3A_307 = tpu.memref_slice %arg6[%dma_wait3A_305, %dma_wait3A_306] : memref<1600x64xf32, #tpu.memory_space<vmem>> -> memref<80x64xf32, #tpu.memory_space<vmem>>
    %dma_wait3A_308 = arith.constant 1440 : i32
    %dma_wait3A_309 = tpu.memref_slice %arg5[%dma_wait3A_308] : memref<1600xi32, #tpu.memory_space<vmem>> -> memref<80xi32, #tpu.memory_space<vmem>>
    %dma_wait3A_310 = arith.constant 0 : i32
    %dma_wait3A_311 = arith.constant 0 : i32
    %dma_wait3A_312 = tpu.memref_slice %arg2[%dma_wait3A_310, %dma_wait3A_311] : memref<100000x64xf32, #tpu.memory_space<hbm>> -> memref<100000x64xf32, #tpu.memory_space<hbm>>
    tpu.wait_indirect_dma semaphore(%arg8 : memref<!tpu.dma_semaphore, #tpu.memory_space<semaphore_mem>>) src(%dma_wait3A_312 : memref<100000x64xf32, #tpu.memory_space<hbm>>) dst(%dma_wait3A_307 : memref<80x64xf32, #tpu.memory_space<vmem>>)
    %dma_wait3A_313 = arith.constant 1520 : i32
    %dma_wait3A_314 = arith.constant 0 : i32
    %dma_wait3A_315 = tpu.memref_slice %arg6[%dma_wait3A_313, %dma_wait3A_314] : memref<1600x64xf32, #tpu.memory_space<vmem>> -> memref<80x64xf32, #tpu.memory_space<vmem>>
    %dma_wait3A_316 = arith.constant 1520 : i32
    %dma_wait3A_317 = tpu.memref_slice %arg5[%dma_wait3A_316] : memref<1600xi32, #tpu.memory_space<vmem>> -> memref<80xi32, #tpu.memory_space<vmem>>
    %dma_wait3A_318 = arith.constant 0 : i32
    %dma_wait3A_319 = arith.constant 0 : i32
    %dma_wait3A_320 = tpu.memref_slice %arg2[%dma_wait3A_318, %dma_wait3A_319] : memref<100000x64xf32, #tpu.memory_space<hbm>> -> memref<100000x64xf32, #tpu.memory_space<hbm>>
    tpu.wait_indirect_dma semaphore(%arg8 : memref<!tpu.dma_semaphore, #tpu.memory_space<semaphore_mem>>) src(%dma_wait3A_320 : memref<100000x64xf32, #tpu.memory_space<hbm>>) dst(%dma_wait3A_315 : memref<80x64xf32, #tpu.memory_space<vmem>>)
    %scan3A = arith.constant 0 : i32
    %scan3A_321 = arith.constant 0 : i32
    %scan3A_322 = arith.constant 32 : i32
    %scan3A_323 = arith.addi %scan3A_321, %scan3A_322 : i32
    %scan3A_324 = arith.constant 1 : i32
    %scan3A_325 = scf.for %scan3A_329 = %scan3A_321 to %scan3A_323 step %scan3A_324 iter_args(%scan3A_330 = %scan3A) -> (i32)  : i32 {
      %broadcast_in_dim3A = arith.constant 0.000000e+00 : f32
      %broadcast_in_dim3A_331 = vector.broadcast %broadcast_in_dim3A : f32 to vector<16xf32>
      %scan3A_332 = arith.constant 0 : i32
      %scan3A_333 = arith.constant 50 : i32
      %scan3A_334 = arith.addi %scan3A_332, %scan3A_333 : i32
      %scan3A_335 = arith.constant 5 : i32
      %scan3A_336:4 = scf.for %scan3A_362 = %scan3A_332 to %scan3A_334 step %scan3A_335 iter_args(%scan3A_363 = %broadcast_in_dim3A_331, %scan3A_364 = %broadcast_in_dim3A_331, %scan3A_365 = %broadcast_in_dim3A_331, %scan3A_366 = %broadcast_in_dim3A_331) -> (vector<16xf32>, vector<16xf32>, vector<16xf32>, vector<16xf32>)  : i32 {
        %mul3A_367 = arith.constant 50 : i32
        %mul3A_368 = arith.muli %scan3A_329, %mul3A_367 : i32
        %add3A_369 = arith.addi %mul3A_368, %scan3A_362 : i32
        %get3A = arith.index_cast %add3A_369 : i32 to index
        %get3A_370 = arith.constant 0 : index
        %get3A_371 = tpu.vector_load %arg6[%get3A, %get3A_370] {strides = array<i32>} : memref<1600x64xf32, #tpu.memory_space<vmem>>, vector<16xf32>,
        %get3A_372 = arith.index_cast %add3A_369 : i32 to index
        %get3A_373 = arith.constant 16 : index
        %get3A_374 = tpu.vector_load %arg6[%get3A_372, %get3A_373] {strides = array<i32>} : memref<1600x64xf32, #tpu.memory_space<vmem>>, vector<16xf32>,
        %get3A_375 = arith.index_cast %add3A_369 : i32 to index
        %get3A_376 = arith.constant 32 : index
        %get3A_377 = tpu.vector_load %arg6[%get3A_375, %get3A_376] {strides = array<i32>} : memref<1600x64xf32, #tpu.memory_space<vmem>>, vector<16xf32>,
        %get3A_378 = arith.index_cast %add3A_369 : i32 to index
        %get3A_379 = arith.constant 48 : index
        %get3A_380 = tpu.vector_load %arg6[%get3A_378, %get3A_379] {strides = array<i32>} : memref<1600x64xf32, #tpu.memory_space<vmem>>, vector<16xf32>,
        %mul3A_381 = arith.mulf %get3A_371, %get3A_371 : vector<16xf32>
        %mul3A_382 = arith.mulf %get3A_374, %get3A_374 : vector<16xf32>
        %add3A_383 = arith.addf %mul3A_381, %mul3A_382 : vector<16xf32>
        %mul3A_384 = arith.mulf %get3A_377, %get3A_377 : vector<16xf32>
        %add3A_385 = arith.addf %add3A_383, %mul3A_384 : vector<16xf32>
        %mul3A_386 = arith.mulf %get3A_380, %get3A_380 : vector<16xf32>
        %add3A_387 = arith.addf %add3A_385, %mul3A_386 : vector<16xf32>
        %reduce_sum3A = arith.constant true
        %reduce_sum3A_388 = vector.broadcast %reduce_sum3A : i1 to vector<16xi1>
        %reduce_sum3A_389 = tpu.scan <sum>, %add3A_387 masked %reduce_sum3A_388 : vector<16xf32>, vector<16xi1> -> vector<16xf32>
        %reduce_sum3A_390 = vector.extract %reduce_sum3A_389[15] : f32 from vector<16xf32>
        %broadcast_in_dim3A_391 = vector.broadcast %reduce_sum3A_390 : f32 to vector<16xf32>
        %gt3A = arith.constant 1.000000e+00 : f32
        %gt3A_392 = vector.broadcast %gt3A : f32 to vector<16xf32>
        %gt3A_393 = arith.cmpf ogt, %broadcast_in_dim3A_391, %gt3A_392 : vector<16xf32>
        %bitcast3A = vector.bitcast %broadcast_in_dim3A_391 : vector<16xf32> to vector<16xi32>
        %shift_right_logical3A = arith.constant 1 : i32
        %shift_right_logical3A_394 = vector.broadcast %shift_right_logical3A : i32 to vector<16xi32>
        %shift_right_logical3A_395 = arith.shrui %bitcast3A, %shift_right_logical3A_394 : vector<16xi32>
        %sub3A = arith.constant 1597463007 : i32
        %sub3A_396 = vector.broadcast %sub3A : i32 to vector<16xi32>
        %sub3A_397 = arith.subi %sub3A_396, %shift_right_logical3A_395 : vector<16xi32>
        %bitcast3A_398 = vector.bitcast %sub3A_397 : vector<16xi32> to vector<16xf32>
        %mul3A_399 = arith.constant 5.000000e-01 : f32
        %mul3A_400 = vector.broadcast %mul3A_399 : f32 to vector<16xf32>
        %mul3A_401 = arith.mulf %mul3A_400, %broadcast_in_dim3A_391 : vector<16xf32>
        %mul3A_402 = arith.mulf %mul3A_401, %bitcast3A_398 : vector<16xf32>
        %mul3A_403 = arith.mulf %mul3A_402, %bitcast3A_398 : vector<16xf32>
        %sub3A_404 = arith.constant 1.500000e+00 : f32
        %sub3A_405 = vector.broadcast %sub3A_404 : f32 to vector<16xf32>
        %sub3A_406 = arith.subf %sub3A_405, %mul3A_403 : vector<16xf32>
        %mul3A_407 = arith.mulf %bitcast3A_398, %sub3A_406 : vector<16xf32>
        %mul3A_408 = arith.constant 5.000000e-01 : f32
        %mul3A_409 = vector.broadcast %mul3A_408 : f32 to vector<16xf32>
        %mul3A_410 = arith.mulf %mul3A_409, %broadcast_in_dim3A_391 : vector<16xf32>
        %mul3A_411 = arith.mulf %mul3A_410, %mul3A_407 : vector<16xf32>
        %mul3A_412 = arith.mulf %mul3A_411, %mul3A_407 : vector<16xf32>
        %sub3A_413 = arith.constant 1.500000e+00 : f32
        %sub3A_414 = vector.broadcast %sub3A_413 : f32 to vector<16xf32>
        %sub3A_415 = arith.subf %sub3A_414, %mul3A_412 : vector<16xf32>
        %mul3A_416 = arith.mulf %mul3A_407, %sub3A_415 : vector<16xf32>
        %mul3A_417 = arith.constant 5.000000e-01 : f32
        %mul3A_418 = vector.broadcast %mul3A_417 : f32 to vector<16xf32>
        %mul3A_419 = arith.mulf %mul3A_418, %broadcast_in_dim3A_391 : vector<16xf32>
        %mul3A_420 = arith.mulf %mul3A_419, %mul3A_416 : vector<16xf32>
        %mul3A_421 = arith.mulf %mul3A_420, %mul3A_416 : vector<16xf32>
        %sub3A_422 = arith.constant 1.500000e+00 : f32
        %sub3A_423 = vector.broadcast %sub3A_422 : f32 to vector<16xf32>
        %sub3A_424 = arith.subf %sub3A_423, %mul3A_421 : vector<16xf32>
        %mul3A_425 = arith.mulf %mul3A_416, %sub3A_424 : vector<16xf32>
        %jit3A = arith.constant 1.000000e+00 : f32
        %broadcast_in_dim3A_426 = vector.broadcast %jit3A : f32 to vector<16xf32>
        %select_n3A = arith.select %gt3A_393, %mul3A_425, %broadcast_in_dim3A_426 : vector<16xi1>, vector<16xf32>
        %mul3A_427 = arith.mulf %select_n3A, %get3A_371 : vector<16xf32>
        %add3A_428 = arith.addf %scan3A_363, %mul3A_427 : vector<16xf32>
        %mul3A_429 = arith.mulf %select_n3A, %get3A_374 : vector<16xf32>
        %add3A_430 = arith.addf %scan3A_364, %mul3A_429 : vector<16xf32>
        %mul3A_431 = arith.mulf %select_n3A, %get3A_377 : vector<16xf32>
        %add3A_432 = arith.addf %scan3A_365, %mul3A_431 : vector<16xf32>
        %mul3A_433 = arith.mulf %select_n3A, %get3A_380 : vector<16xf32>
        %add3A_434 = arith.addf %scan3A_366, %mul3A_433 : vector<16xf32>
        %scan3A_435 = arith.constant 1 : i32
        %scan3A_436 = arith.addi %scan3A_362, %scan3A_435 : i32
        %mul3A_437 = arith.constant 50 : i32
        %mul3A_438 = arith.muli %scan3A_329, %mul3A_437 : i32
        %add3A_439 = arith.addi %mul3A_438, %scan3A_436 : i32
        %get3A_440 = arith.index_cast %add3A_439 : i32 to index
        %get3A_441 = arith.constant 0 : index
        %get3A_442 = tpu.vector_load %arg6[%get3A_440, %get3A_441] {strides = array<i32>} : memref<1600x64xf32, #tpu.memory_space<vmem>>, vector<16xf32>,
        %get3A_443 = arith.index_cast %add3A_439 : i32 to index
        %get3A_444 = arith.constant 16 : index
        %get3A_445 = tpu.vector_load %arg6[%get3A_443, %get3A_444] {strides = array<i32>} : memref<1600x64xf32, #tpu.memory_space<vmem>>, vector<16xf32>,
        %get3A_446 = arith.index_cast %add3A_439 : i32 to index
        %get3A_447 = arith.constant 32 : index
        %get3A_448 = tpu.vector_load %arg6[%get3A_446, %get3A_447] {strides = array<i32>} : memref<1600x64xf32, #tpu.memory_space<vmem>>, vector<16xf32>,
        %get3A_449 = arith.index_cast %add3A_439 : i32 to index
        %get3A_450 = arith.constant 48 : index
        %get3A_451 = tpu.vector_load %arg6[%get3A_449, %get3A_450] {strides = array<i32>} : memref<1600x64xf32, #tpu.memory_space<vmem>>, vector<16xf32>,
        %mul3A_452 = arith.mulf %get3A_442, %get3A_442 : vector<16xf32>
        %mul3A_453 = arith.mulf %get3A_445, %get3A_445 : vector<16xf32>
        %add3A_454 = arith.addf %mul3A_452, %mul3A_453 : vector<16xf32>
        %mul3A_455 = arith.mulf %get3A_448, %get3A_448 : vector<16xf32>
        %add3A_456 = arith.addf %add3A_454, %mul3A_455 : vector<16xf32>
        %mul3A_457 = arith.mulf %get3A_451, %get3A_451 : vector<16xf32>
        %add3A_458 = arith.addf %add3A_456, %mul3A_457 : vector<16xf32>
        %reduce_sum3A_459 = arith.constant true
        %reduce_sum3A_460 = vector.broadcast %reduce_sum3A_459 : i1 to vector<16xi1>
        %reduce_sum3A_461 = tpu.scan <sum>, %add3A_458 masked %reduce_sum3A_460 : vector<16xf32>, vector<16xi1> -> vector<16xf32>
        %reduce_sum3A_462 = vector.extract %reduce_sum3A_461[15] : f32 from vector<16xf32>
        %broadcast_in_dim3A_463 = vector.broadcast %reduce_sum3A_462 : f32 to vector<16xf32>
        %gt3A_464 = arith.constant 1.000000e+00 : f32
        %gt3A_465 = vector.broadcast %gt3A_464 : f32 to vector<16xf32>
        %gt3A_466 = arith.cmpf ogt, %broadcast_in_dim3A_463, %gt3A_465 : vector<16xf32>
        %bitcast3A_467 = vector.bitcast %broadcast_in_dim3A_463 : vector<16xf32> to vector<16xi32>
        %shift_right_logical3A_468 = arith.constant 1 : i32
        %shift_right_logical3A_469 = vector.broadcast %shift_right_logical3A_468 : i32 to vector<16xi32>
        %shift_right_logical3A_470 = arith.shrui %bitcast3A_467, %shift_right_logical3A_469 : vector<16xi32>
        %sub3A_471 = arith.constant 1597463007 : i32
        %sub3A_472 = vector.broadcast %sub3A_471 : i32 to vector<16xi32>
        %sub3A_473 = arith.subi %sub3A_472, %shift_right_logical3A_470 : vector<16xi32>
        %bitcast3A_474 = vector.bitcast %sub3A_473 : vector<16xi32> to vector<16xf32>
        %mul3A_475 = arith.constant 5.000000e-01 : f32
        %mul3A_476 = vector.broadcast %mul3A_475 : f32 to vector<16xf32>
        %mul3A_477 = arith.mulf %mul3A_476, %broadcast_in_dim3A_463 : vector<16xf32>
        %mul3A_478 = arith.mulf %mul3A_477, %bitcast3A_474 : vector<16xf32>
        %mul3A_479 = arith.mulf %mul3A_478, %bitcast3A_474 : vector<16xf32>
        %sub3A_480 = arith.constant 1.500000e+00 : f32
        %sub3A_481 = vector.broadcast %sub3A_480 : f32 to vector<16xf32>
        %sub3A_482 = arith.subf %sub3A_481, %mul3A_479 : vector<16xf32>
        %mul3A_483 = arith.mulf %bitcast3A_474, %sub3A_482 : vector<16xf32>
        %mul3A_484 = arith.constant 5.000000e-01 : f32
        %mul3A_485 = vector.broadcast %mul3A_484 : f32 to vector<16xf32>
        %mul3A_486 = arith.mulf %mul3A_485, %broadcast_in_dim3A_463 : vector<16xf32>
        %mul3A_487 = arith.mulf %mul3A_486, %mul3A_483 : vector<16xf32>
        %mul3A_488 = arith.mulf %mul3A_487, %mul3A_483 : vector<16xf32>
        %sub3A_489 = arith.constant 1.500000e+00 : f32
        %sub3A_490 = vector.broadcast %sub3A_489 : f32 to vector<16xf32>
        %sub3A_491 = arith.subf %sub3A_490, %mul3A_488 : vector<16xf32>
        %mul3A_492 = arith.mulf %mul3A_483, %sub3A_491 : vector<16xf32>
        %mul3A_493 = arith.constant 5.000000e-01 : f32
        %mul3A_494 = vector.broadcast %mul3A_493 : f32 to vector<16xf32>
        %mul3A_495 = arith.mulf %mul3A_494, %broadcast_in_dim3A_463 : vector<16xf32>
        %mul3A_496 = arith.mulf %mul3A_495, %mul3A_492 : vector<16xf32>
        %mul3A_497 = arith.mulf %mul3A_496, %mul3A_492 : vector<16xf32>
        %sub3A_498 = arith.constant 1.500000e+00 : f32
        %sub3A_499 = vector.broadcast %sub3A_498 : f32 to vector<16xf32>
        %sub3A_500 = arith.subf %sub3A_499, %mul3A_497 : vector<16xf32>
        %mul3A_501 = arith.mulf %mul3A_492, %sub3A_500 : vector<16xf32>
        %jit3A_502 = arith.constant 1.000000e+00 : f32
        %broadcast_in_dim3A_503 = vector.broadcast %jit3A_502 : f32 to vector<16xf32>
        %select_n3A_504 = arith.select %gt3A_466, %mul3A_501, %broadcast_in_dim3A_503 : vector<16xi1>, vector<16xf32>
        %mul3A_505 = arith.mulf %select_n3A_504, %get3A_442 : vector<16xf32>
        %add3A_506 = arith.addf %add3A_428, %mul3A_505 : vector<16xf32>
        %mul3A_507 = arith.mulf %select_n3A_504, %get3A_445 : vector<16xf32>
        %add3A_508 = arith.addf %add3A_430, %mul3A_507 : vector<16xf32>
        %mul3A_509 = arith.mulf %select_n3A_504, %get3A_448 : vector<16xf32>
        %add3A_510 = arith.addf %add3A_432, %mul3A_509 : vector<16xf32>
        %mul3A_511 = arith.mulf %select_n3A_504, %get3A_451 : vector<16xf32>
        %add3A_512 = arith.addf %add3A_434, %mul3A_511 : vector<16xf32>
        %scan3A_513 = arith.constant 2 : i32
        %scan3A_514 = arith.addi %scan3A_362, %scan3A_513 : i32
        %mul3A_515 = arith.constant 50 : i32
        %mul3A_516 = arith.muli %scan3A_329, %mul3A_515 : i32
        %add3A_517 = arith.addi %mul3A_516, %scan3A_514 : i32
        %get3A_518 = arith.index_cast %add3A_517 : i32 to index
        %get3A_519 = arith.constant 0 : index
        %get3A_520 = tpu.vector_load %arg6[%get3A_518, %get3A_519] {strides = array<i32>} : memref<1600x64xf32, #tpu.memory_space<vmem>>, vector<16xf32>,
        %get3A_521 = arith.index_cast %add3A_517 : i32 to index
        %get3A_522 = arith.constant 16 : index
        %get3A_523 = tpu.vector_load %arg6[%get3A_521, %get3A_522] {strides = array<i32>} : memref<1600x64xf32, #tpu.memory_space<vmem>>, vector<16xf32>,
        %get3A_524 = arith.index_cast %add3A_517 : i32 to index
        %get3A_525 = arith.constant 32 : index
        %get3A_526 = tpu.vector_load %arg6[%get3A_524, %get3A_525] {strides = array<i32>} : memref<1600x64xf32, #tpu.memory_space<vmem>>, vector<16xf32>,
        %get3A_527 = arith.index_cast %add3A_517 : i32 to index
        %get3A_528 = arith.constant 48 : index
        %get3A_529 = tpu.vector_load %arg6[%get3A_527, %get3A_528] {strides = array<i32>} : memref<1600x64xf32, #tpu.memory_space<vmem>>, vector<16xf32>,
        %mul3A_530 = arith.mulf %get3A_520, %get3A_520 : vector<16xf32>
        %mul3A_531 = arith.mulf %get3A_523, %get3A_523 : vector<16xf32>
        %add3A_532 = arith.addf %mul3A_530, %mul3A_531 : vector<16xf32>
        %mul3A_533 = arith.mulf %get3A_526, %get3A_526 : vector<16xf32>
        %add3A_534 = arith.addf %add3A_532, %mul3A_533 : vector<16xf32>
        %mul3A_535 = arith.mulf %get3A_529, %get3A_529 : vector<16xf32>
        %add3A_536 = arith.addf %add3A_534, %mul3A_535 : vector<16xf32>
        %reduce_sum3A_537 = arith.constant true
        %reduce_sum3A_538 = vector.broadcast %reduce_sum3A_537 : i1 to vector<16xi1>
        %reduce_sum3A_539 = tpu.scan <sum>, %add3A_536 masked %reduce_sum3A_538 : vector<16xf32>, vector<16xi1> -> vector<16xf32>
        %reduce_sum3A_540 = vector.extract %reduce_sum3A_539[15] : f32 from vector<16xf32>
        %broadcast_in_dim3A_541 = vector.broadcast %reduce_sum3A_540 : f32 to vector<16xf32>
        %gt3A_542 = arith.constant 1.000000e+00 : f32
        %gt3A_543 = vector.broadcast %gt3A_542 : f32 to vector<16xf32>
        %gt3A_544 = arith.cmpf ogt, %broadcast_in_dim3A_541, %gt3A_543 : vector<16xf32>
        %bitcast3A_545 = vector.bitcast %broadcast_in_dim3A_541 : vector<16xf32> to vector<16xi32>
        %shift_right_logical3A_546 = arith.constant 1 : i32
        %shift_right_logical3A_547 = vector.broadcast %shift_right_logical3A_546 : i32 to vector<16xi32>
        %shift_right_logical3A_548 = arith.shrui %bitcast3A_545, %shift_right_logical3A_547 : vector<16xi32>
        %sub3A_549 = arith.constant 1597463007 : i32
        %sub3A_550 = vector.broadcast %sub3A_549 : i32 to vector<16xi32>
        %sub3A_551 = arith.subi %sub3A_550, %shift_right_logical3A_548 : vector<16xi32>
        %bitcast3A_552 = vector.bitcast %sub3A_551 : vector<16xi32> to vector<16xf32>
        %mul3A_553 = arith.constant 5.000000e-01 : f32
        %mul3A_554 = vector.broadcast %mul3A_553 : f32 to vector<16xf32>
        %mul3A_555 = arith.mulf %mul3A_554, %broadcast_in_dim3A_541 : vector<16xf32>
        %mul3A_556 = arith.mulf %mul3A_555, %bitcast3A_552 : vector<16xf32>
        %mul3A_557 = arith.mulf %mul3A_556, %bitcast3A_552 : vector<16xf32>
        %sub3A_558 = arith.constant 1.500000e+00 : f32
        %sub3A_559 = vector.broadcast %sub3A_558 : f32 to vector<16xf32>
        %sub3A_560 = arith.subf %sub3A_559, %mul3A_557 : vector<16xf32>
        %mul3A_561 = arith.mulf %bitcast3A_552, %sub3A_560 : vector<16xf32>
        %mul3A_562 = arith.constant 5.000000e-01 : f32
        %mul3A_563 = vector.broadcast %mul3A_562 : f32 to vector<16xf32>
        %mul3A_564 = arith.mulf %mul3A_563, %broadcast_in_dim3A_541 : vector<16xf32>
        %mul3A_565 = arith.mulf %mul3A_564, %mul3A_561 : vector<16xf32>
        %mul3A_566 = arith.mulf %mul3A_565, %mul3A_561 : vector<16xf32>
        %sub3A_567 = arith.constant 1.500000e+00 : f32
        %sub3A_568 = vector.broadcast %sub3A_567 : f32 to vector<16xf32>
        %sub3A_569 = arith.subf %sub3A_568, %mul3A_566 : vector<16xf32>
        %mul3A_570 = arith.mulf %mul3A_561, %sub3A_569 : vector<16xf32>
        %mul3A_571 = arith.constant 5.000000e-01 : f32
        %mul3A_572 = vector.broadcast %mul3A_571 : f32 to vector<16xf32>
        %mul3A_573 = arith.mulf %mul3A_572, %broadcast_in_dim3A_541 : vector<16xf32>
        %mul3A_574 = arith.mulf %mul3A_573, %mul3A_570 : vector<16xf32>
        %mul3A_575 = arith.mulf %mul3A_574, %mul3A_570 : vector<16xf32>
        %sub3A_576 = arith.constant 1.500000e+00 : f32
        %sub3A_577 = vector.broadcast %sub3A_576 : f32 to vector<16xf32>
        %sub3A_578 = arith.subf %sub3A_577, %mul3A_575 : vector<16xf32>
        %mul3A_579 = arith.mulf %mul3A_570, %sub3A_578 : vector<16xf32>
        %jit3A_580 = arith.constant 1.000000e+00 : f32
        %broadcast_in_dim3A_581 = vector.broadcast %jit3A_580 : f32 to vector<16xf32>
        %select_n3A_582 = arith.select %gt3A_544, %mul3A_579, %broadcast_in_dim3A_581 : vector<16xi1>, vector<16xf32>
        %mul3A_583 = arith.mulf %select_n3A_582, %get3A_520 : vector<16xf32>
        %add3A_584 = arith.addf %add3A_506, %mul3A_583 : vector<16xf32>
        %mul3A_585 = arith.mulf %select_n3A_582, %get3A_523 : vector<16xf32>
        %add3A_586 = arith.addf %add3A_508, %mul3A_585 : vector<16xf32>
        %mul3A_587 = arith.mulf %select_n3A_582, %get3A_526 : vector<16xf32>
        %add3A_588 = arith.addf %add3A_510, %mul3A_587 : vector<16xf32>
        %mul3A_589 = arith.mulf %select_n3A_582, %get3A_529 : vector<16xf32>
        %add3A_590 = arith.addf %add3A_512, %mul3A_589 : vector<16xf32>
        %scan3A_591 = arith.constant 3 : i32
        %scan3A_592 = arith.addi %scan3A_362, %scan3A_591 : i32
        %mul3A_593 = arith.constant 50 : i32
        %mul3A_594 = arith.muli %scan3A_329, %mul3A_593 : i32
        %add3A_595 = arith.addi %mul3A_594, %scan3A_592 : i32
        %get3A_596 = arith.index_cast %add3A_595 : i32 to index
        %get3A_597 = arith.constant 0 : index
        %get3A_598 = tpu.vector_load %arg6[%get3A_596, %get3A_597] {strides = array<i32>} : memref<1600x64xf32, #tpu.memory_space<vmem>>, vector<16xf32>,
        %get3A_599 = arith.index_cast %add3A_595 : i32 to index
        %get3A_600 = arith.constant 16 : index
        %get3A_601 = tpu.vector_load %arg6[%get3A_599, %get3A_600] {strides = array<i32>} : memref<1600x64xf32, #tpu.memory_space<vmem>>, vector<16xf32>,
        %get3A_602 = arith.index_cast %add3A_595 : i32 to index
        %get3A_603 = arith.constant 32 : index
        %get3A_604 = tpu.vector_load %arg6[%get3A_602, %get3A_603] {strides = array<i32>} : memref<1600x64xf32, #tpu.memory_space<vmem>>, vector<16xf32>,
        %get3A_605 = arith.index_cast %add3A_595 : i32 to index
        %get3A_606 = arith.constant 48 : index
        %get3A_607 = tpu.vector_load %arg6[%get3A_605, %get3A_606] {strides = array<i32>} : memref<1600x64xf32, #tpu.memory_space<vmem>>, vector<16xf32>,
        %mul3A_608 = arith.mulf %get3A_598, %get3A_598 : vector<16xf32>
        %mul3A_609 = arith.mulf %get3A_601, %get3A_601 : vector<16xf32>
        %add3A_610 = arith.addf %mul3A_608, %mul3A_609 : vector<16xf32>
        %mul3A_611 = arith.mulf %get3A_604, %get3A_604 : vector<16xf32>
        %add3A_612 = arith.addf %add3A_610, %mul3A_611 : vector<16xf32>
        %mul3A_613 = arith.mulf %get3A_607, %get3A_607 : vector<16xf32>
        %add3A_614 = arith.addf %add3A_612, %mul3A_613 : vector<16xf32>
        %reduce_sum3A_615 = arith.constant true
        %reduce_sum3A_616 = vector.broadcast %reduce_sum3A_615 : i1 to vector<16xi1>
        %reduce_sum3A_617 = tpu.scan <sum>, %add3A_614 masked %reduce_sum3A_616 : vector<16xf32>, vector<16xi1> -> vector<16xf32>
        %reduce_sum3A_618 = vector.extract %reduce_sum3A_617[15] : f32 from vector<16xf32>
        %broadcast_in_dim3A_619 = vector.broadcast %reduce_sum3A_618 : f32 to vector<16xf32>
        %gt3A_620 = arith.constant 1.000000e+00 : f32
        %gt3A_621 = vector.broadcast %gt3A_620 : f32 to vector<16xf32>
        %gt3A_622 = arith.cmpf ogt, %broadcast_in_dim3A_619, %gt3A_621 : vector<16xf32>
        %bitcast3A_623 = vector.bitcast %broadcast_in_dim3A_619 : vector<16xf32> to vector<16xi32>
        %shift_right_logical3A_624 = arith.constant 1 : i32
        %shift_right_logical3A_625 = vector.broadcast %shift_right_logical3A_624 : i32 to vector<16xi32>
        %shift_right_logical3A_626 = arith.shrui %bitcast3A_623, %shift_right_logical3A_625 : vector<16xi32>
        %sub3A_627 = arith.constant 1597463007 : i32
        %sub3A_628 = vector.broadcast %sub3A_627 : i32 to vector<16xi32>
        %sub3A_629 = arith.subi %sub3A_628, %shift_right_logical3A_626 : vector<16xi32>
        %bitcast3A_630 = vector.bitcast %sub3A_629 : vector<16xi32> to vector<16xf32>
        %mul3A_631 = arith.constant 5.000000e-01 : f32
        %mul3A_632 = vector.broadcast %mul3A_631 : f32 to vector<16xf32>
        %mul3A_633 = arith.mulf %mul3A_632, %broadcast_in_dim3A_619 : vector<16xf32>
        %mul3A_634 = arith.mulf %mul3A_633, %bitcast3A_630 : vector<16xf32>
        %mul3A_635 = arith.mulf %mul3A_634, %bitcast3A_630 : vector<16xf32>
        %sub3A_636 = arith.constant 1.500000e+00 : f32
        %sub3A_637 = vector.broadcast %sub3A_636 : f32 to vector<16xf32>
        %sub3A_638 = arith.subf %sub3A_637, %mul3A_635 : vector<16xf32>
        %mul3A_639 = arith.mulf %bitcast3A_630, %sub3A_638 : vector<16xf32>
        %mul3A_640 = arith.constant 5.000000e-01 : f32
        %mul3A_641 = vector.broadcast %mul3A_640 : f32 to vector<16xf32>
        %mul3A_642 = arith.mulf %mul3A_641, %broadcast_in_dim3A_619 : vector<16xf32>
        %mul3A_643 = arith.mulf %mul3A_642, %mul3A_639 : vector<16xf32>
        %mul3A_644 = arith.mulf %mul3A_643, %mul3A_639 : vector<16xf32>
        %sub3A_645 = arith.constant 1.500000e+00 : f32
        %sub3A_646 = vector.broadcast %sub3A_645 : f32 to vector<16xf32>
        %sub3A_647 = arith.subf %sub3A_646, %mul3A_644 : vector<16xf32>
        %mul3A_648 = arith.mulf %mul3A_639, %sub3A_647 : vector<16xf32>
        %mul3A_649 = arith.constant 5.000000e-01 : f32
        %mul3A_650 = vector.broadcast %mul3A_649 : f32 to vector<16xf32>
        %mul3A_651 = arith.mulf %mul3A_650, %broadcast_in_dim3A_619 : vector<16xf32>
        %mul3A_652 = arith.mulf %mul3A_651, %mul3A_648 : vector<16xf32>
        %mul3A_653 = arith.mulf %mul3A_652, %mul3A_648 : vector<16xf32>
        %sub3A_654 = arith.constant 1.500000e+00 : f32
        %sub3A_655 = vector.broadcast %sub3A_654 : f32 to vector<16xf32>
        %sub3A_656 = arith.subf %sub3A_655, %mul3A_653 : vector<16xf32>
        %mul3A_657 = arith.mulf %mul3A_648, %sub3A_656 : vector<16xf32>
        %jit3A_658 = arith.constant 1.000000e+00 : f32
        %broadcast_in_dim3A_659 = vector.broadcast %jit3A_658 : f32 to vector<16xf32>
        %select_n3A_660 = arith.select %gt3A_622, %mul3A_657, %broadcast_in_dim3A_659 : vector<16xi1>, vector<16xf32>
        %mul3A_661 = arith.mulf %select_n3A_660, %get3A_598 : vector<16xf32>
        %add3A_662 = arith.addf %add3A_584, %mul3A_661 : vector<16xf32>
        %mul3A_663 = arith.mulf %select_n3A_660, %get3A_601 : vector<16xf32>
        %add3A_664 = arith.addf %add3A_586, %mul3A_663 : vector<16xf32>
        %mul3A_665 = arith.mulf %select_n3A_660, %get3A_604 : vector<16xf32>
        %add3A_666 = arith.addf %add3A_588, %mul3A_665 : vector<16xf32>
        %mul3A_667 = arith.mulf %select_n3A_660, %get3A_607 : vector<16xf32>
        %add3A_668 = arith.addf %add3A_590, %mul3A_667 : vector<16xf32>
        %scan3A_669 = arith.constant 4 : i32
        %scan3A_670 = arith.addi %scan3A_362, %scan3A_669 : i32
        %mul3A_671 = arith.constant 50 : i32
        %mul3A_672 = arith.muli %scan3A_329, %mul3A_671 : i32
        %add3A_673 = arith.addi %mul3A_672, %scan3A_670 : i32
        %get3A_674 = arith.index_cast %add3A_673 : i32 to index
        %get3A_675 = arith.constant 0 : index
        %get3A_676 = tpu.vector_load %arg6[%get3A_674, %get3A_675] {strides = array<i32>} : memref<1600x64xf32, #tpu.memory_space<vmem>>, vector<16xf32>,
        %get3A_677 = arith.index_cast %add3A_673 : i32 to index
        %get3A_678 = arith.constant 16 : index
        %get3A_679 = tpu.vector_load %arg6[%get3A_677, %get3A_678] {strides = array<i32>} : memref<1600x64xf32, #tpu.memory_space<vmem>>, vector<16xf32>,
        %get3A_680 = arith.index_cast %add3A_673 : i32 to index
        %get3A_681 = arith.constant 32 : index
        %get3A_682 = tpu.vector_load %arg6[%get3A_680, %get3A_681] {strides = array<i32>} : memref<1600x64xf32, #tpu.memory_space<vmem>>, vector<16xf32>,
        %get3A_683 = arith.index_cast %add3A_673 : i32 to index
        %get3A_684 = arith.constant 48 : index
        %get3A_685 = tpu.vector_load %arg6[%get3A_683, %get3A_684] {strides = array<i32>} : memref<1600x64xf32, #tpu.memory_space<vmem>>, vector<16xf32>,
        %mul3A_686 = arith.mulf %get3A_676, %get3A_676 : vector<16xf32>
        %mul3A_687 = arith.mulf %get3A_679, %get3A_679 : vector<16xf32>
        %add3A_688 = arith.addf %mul3A_686, %mul3A_687 : vector<16xf32>
        %mul3A_689 = arith.mulf %get3A_682, %get3A_682 : vector<16xf32>
        %add3A_690 = arith.addf %add3A_688, %mul3A_689 : vector<16xf32>
        %mul3A_691 = arith.mulf %get3A_685, %get3A_685 : vector<16xf32>
        %add3A_692 = arith.addf %add3A_690, %mul3A_691 : vector<16xf32>
        %reduce_sum3A_693 = arith.constant true
        %reduce_sum3A_694 = vector.broadcast %reduce_sum3A_693 : i1 to vector<16xi1>
        %reduce_sum3A_695 = tpu.scan <sum>, %add3A_692 masked %reduce_sum3A_694 : vector<16xf32>, vector<16xi1> -> vector<16xf32>
        %reduce_sum3A_696 = vector.extract %reduce_sum3A_695[15] : f32 from vector<16xf32>
        %broadcast_in_dim3A_697 = vector.broadcast %reduce_sum3A_696 : f32 to vector<16xf32>
        %gt3A_698 = arith.constant 1.000000e+00 : f32
        %gt3A_699 = vector.broadcast %gt3A_698 : f32 to vector<16xf32>
        %gt3A_700 = arith.cmpf ogt, %broadcast_in_dim3A_697, %gt3A_699 : vector<16xf32>
        %bitcast3A_701 = vector.bitcast %broadcast_in_dim3A_697 : vector<16xf32> to vector<16xi32>
        %shift_right_logical3A_702 = arith.constant 1 : i32
        %shift_right_logical3A_703 = vector.broadcast %shift_right_logical3A_702 : i32 to vector<16xi32>
        %shift_right_logical3A_704 = arith.shrui %bitcast3A_701, %shift_right_logical3A_703 : vector<16xi32>
        %sub3A_705 = arith.constant 1597463007 : i32
        %sub3A_706 = vector.broadcast %sub3A_705 : i32 to vector<16xi32>
        %sub3A_707 = arith.subi %sub3A_706, %shift_right_logical3A_704 : vector<16xi32>
        %bitcast3A_708 = vector.bitcast %sub3A_707 : vector<16xi32> to vector<16xf32>
        %mul3A_709 = arith.constant 5.000000e-01 : f32
        %mul3A_710 = vector.broadcast %mul3A_709 : f32 to vector<16xf32>
        %mul3A_711 = arith.mulf %mul3A_710, %broadcast_in_dim3A_697 : vector<16xf32>
        %mul3A_712 = arith.mulf %mul3A_711, %bitcast3A_708 : vector<16xf32>
        %mul3A_713 = arith.mulf %mul3A_712, %bitcast3A_708 : vector<16xf32>
        %sub3A_714 = arith.constant 1.500000e+00 : f32
        %sub3A_715 = vector.broadcast %sub3A_714 : f32 to vector<16xf32>
        %sub3A_716 = arith.subf %sub3A_715, %mul3A_713 : vector<16xf32>
        %mul3A_717 = arith.mulf %bitcast3A_708, %sub3A_716 : vector<16xf32>
        %mul3A_718 = arith.constant 5.000000e-01 : f32
        %mul3A_719 = vector.broadcast %mul3A_718 : f32 to vector<16xf32>
        %mul3A_720 = arith.mulf %mul3A_719, %broadcast_in_dim3A_697 : vector<16xf32>
        %mul3A_721 = arith.mulf %mul3A_720, %mul3A_717 : vector<16xf32>
        %mul3A_722 = arith.mulf %mul3A_721, %mul3A_717 : vector<16xf32>
        %sub3A_723 = arith.constant 1.500000e+00 : f32
        %sub3A_724 = vector.broadcast %sub3A_723 : f32 to vector<16xf32>
        %sub3A_725 = arith.subf %sub3A_724, %mul3A_722 : vector<16xf32>
        %mul3A_726 = arith.mulf %mul3A_717, %sub3A_725 : vector<16xf32>
        %mul3A_727 = arith.constant 5.000000e-01 : f32
        %mul3A_728 = vector.broadcast %mul3A_727 : f32 to vector<16xf32>
        %mul3A_729 = arith.mulf %mul3A_728, %broadcast_in_dim3A_697 : vector<16xf32>
        %mul3A_730 = arith.mulf %mul3A_729, %mul3A_726 : vector<16xf32>
        %mul3A_731 = arith.mulf %mul3A_730, %mul3A_726 : vector<16xf32>
        %sub3A_732 = arith.constant 1.500000e+00 : f32
        %sub3A_733 = vector.broadcast %sub3A_732 : f32 to vector<16xf32>
        %sub3A_734 = arith.subf %sub3A_733, %mul3A_731 : vector<16xf32>
        %mul3A_735 = arith.mulf %mul3A_726, %sub3A_734 : vector<16xf32>
        %jit3A_736 = arith.constant 1.000000e+00 : f32
        %broadcast_in_dim3A_737 = vector.broadcast %jit3A_736 : f32 to vector<16xf32>
        %select_n3A_738 = arith.select %gt3A_700, %mul3A_735, %broadcast_in_dim3A_737 : vector<16xi1>, vector<16xf32>
        %mul3A_739 = arith.mulf %select_n3A_738, %get3A_676 : vector<16xf32>
        %add3A_740 = arith.addf %add3A_662, %mul3A_739 : vector<16xf32>
        %mul3A_741 = arith.mulf %select_n3A_738, %get3A_679 : vector<16xf32>
        %add3A_742 = arith.addf %add3A_664, %mul3A_741 : vector<16xf32>
        %mul3A_743 = arith.mulf %select_n3A_738, %get3A_682 : vector<16xf32>
        %add3A_744 = arith.addf %add3A_666, %mul3A_743 : vector<16xf32>
        %mul3A_745 = arith.mulf %select_n3A_738, %get3A_685 : vector<16xf32>
        %add3A_746 = arith.addf %add3A_668, %mul3A_745 : vector<16xf32>
        scf.yield %add3A_740, %add3A_742, %add3A_744, %add3A_746 : vector<16xf32>, vector<16xf32>, vector<16xf32>, vector<16xf32>
      }
      %scan3A_337 = arith.constant 50 : i32
      %mul3A_338 = arith.constant 2.000000e-02 : f32
      %mul3A_339 = vector.broadcast %mul3A_338 : f32 to vector<16xf32>
      %mul3A_340 = arith.mulf %scan3A_336#0, %mul3A_339 : vector<16xf32>
      %swap3A = arith.index_cast %scan3A_329 : i32 to index
      %swap3A_341 = arith.constant 0 : index
      %swap3A_342 = tpu.vector_load %arg7[%swap3A, %swap3A_341] {strides = array<i32>} : memref<32x64xf32, #tpu.memory_space<vmem>>, vector<16xf32>,
      tpu.vector_store %arg7[%swap3A, %swap3A_341], %mul3A_340 {strides = array<i32>} : memref<32x64xf32, #tpu.memory_space<vmem>>, vector<16xf32>,
      %mul3A_343 = arith.constant 2.000000e-02 : f32
      %mul3A_344 = vector.broadcast %mul3A_343 : f32 to vector<16xf32>
      %mul3A_345 = arith.mulf %scan3A_336#1, %mul3A_344 : vector<16xf32>
      %swap3A_346 = arith.index_cast %scan3A_329 : i32 to index
      %swap3A_347 = arith.constant 16 : index
      %swap3A_348 = tpu.vector_load %arg7[%swap3A_346, %swap3A_347] {strides = array<i32>} : memref<32x64xf32, #tpu.memory_space<vmem>>, vector<16xf32>,
      tpu.vector_store %arg7[%swap3A_346, %swap3A_347], %mul3A_345 {strides = array<i32>} : memref<32x64xf32, #tpu.memory_space<vmem>>, vector<16xf32>,
      %mul3A_349 = arith.constant 2.000000e-02 : f32
      %mul3A_350 = vector.broadcast %mul3A_349 : f32 to vector<16xf32>
      %mul3A_351 = arith.mulf %scan3A_336#2, %mul3A_350 : vector<16xf32>
      %swap3A_352 = arith.index_cast %scan3A_329 : i32 to index
      %swap3A_353 = arith.constant 32 : index
      %swap3A_354 = tpu.vector_load %arg7[%swap3A_352, %swap3A_353] {strides = array<i32>} : memref<32x64xf32, #tpu.memory_space<vmem>>, vector<16xf32>,
      tpu.vector_store %arg7[%swap3A_352, %swap3A_353], %mul3A_351 {strides = array<i32>} : memref<32x64xf32, #tpu.memory_space<vmem>>, vector<16xf32>,
      %mul3A_355 = arith.constant 2.000000e-02 : f32
      %mul3A_356 = vector.broadcast %mul3A_355 : f32 to vector<16xf32>
      %mul3A_357 = arith.mulf %scan3A_336#3, %mul3A_356 : vector<16xf32>
      %swap3A_358 = arith.index_cast %scan3A_329 : i32 to index
      %swap3A_359 = arith.constant 48 : index
      %swap3A_360 = tpu.vector_load %arg7[%swap3A_358, %swap3A_359] {strides = array<i32>} : memref<32x64xf32, #tpu.memory_space<vmem>>, vector<16xf32>,
      tpu.vector_store %arg7[%swap3A_358, %swap3A_359], %mul3A_357 {strides = array<i32>} : memref<32x64xf32, #tpu.memory_space<vmem>>, vector<16xf32>,
      %scan3A_361 = arith.constant 0 : i32
      scf.yield %scan3A_361 : i32
    }
    %scan3A_326 = arith.constant 32 : i32
    %mul3A_327 = arith.constant 32 : i32
    %mul3A_328 = arith.muli %add3A, %mul3A_327 : i32
    "tpu.region"() ({
      %run_scoped3A = tpu.sem_alloc : memref<!tpu.dma_semaphore, #tpu.memory_space<semaphore_mem>>
      %dma_start3A_329 = arith.constant 0 : i32
      %dma_start3A_330 = tpu.memref_slice %arg4[%mul3A_328, %dma_start3A_329] : memref<1024x64xf32, #tpu.memory_space<hbm>> -> memref<32x64xf32, #tpu.memory_space<hbm>>
      %dma_start3A_331 = arith.constant 0 : i32
      %dma_start3A_332 = tpu.memref_slice %arg4[%mul3A_328, %dma_start3A_331] : memref<1024x64xf32, #tpu.memory_space<hbm>> -> memref<32x64xf32, #tpu.memory_space<hbm>>
      tpu.enqueue_dma source(%arg7 : memref<32x64xf32, #tpu.memory_space<vmem>>) target(%dma_start3A_332 : memref<32x64xf32, #tpu.memory_space<hbm>>) target_semaphore(%run_scoped3A : memref<!tpu.dma_semaphore, #tpu.memory_space<semaphore_mem>>)
      %dma_wait3A_333 = arith.constant 0 : i32
      %dma_wait3A_334 = tpu.memref_slice %arg4[%mul3A_328, %dma_wait3A_333] : memref<1024x64xf32, #tpu.memory_space<hbm>> -> memref<32x64xf32, #tpu.memory_space<hbm>>
      %dma_wait3A_335 = arith.constant 0 : i32
      %dma_wait3A_336 = tpu.memref_slice %arg4[%mul3A_328, %dma_wait3A_335] : memref<1024x64xf32, #tpu.memory_space<hbm>> -> memref<32x64xf32, #tpu.memory_space<hbm>>
      tpu.wait_dma2 semaphore(%run_scoped3A : memref<!tpu.dma_semaphore, #tpu.memory_space<semaphore_mem>>) src(%arg7 : memref<32x64xf32, #tpu.memory_space<vmem>>) dst(%dma_wait3A_336 : memref<32x64xf32, #tpu.memory_space<hbm>>)
      tpu.yield
    }) : () -> ()
    return
  }
}

module attributes {stable_mosaic.version = 14 : i64} {
  func.func @_mmt_body(%arg0: i32, %arg1: memref<1024x64xf32, #tpu.memory_space<vmem>>, %arg2: memref<64x2048xf32, #tpu.memory_space<vmem>>, %arg3: memref<1x2048xf32, #tpu.memory_space<vmem>>, %arg4: memref<100000x1024xf32, #tpu.memory_space<any>>, %arg5: memref<2048x1024xf32, #tpu.memory_space<vmem>>, %arg6: memref<2048x1024xf32, #tpu.memory_space<vmem>>, %arg7: memref<2x!tpu.dma_semaphore, #tpu.memory_space<semaphore_mem>>) attributes {dimension_semantics = [#tpu.dimension_semantics<arbitrary>], iteration_bounds = array<i64: 49>, scalar_prefetch = 0 : i64, scratch_operands = 3 : i64, tpu.core_type = #tpu.core_type<tc>, window_params = [{pipeline_mode = #tpu.pipeline_mode<synchronous>, transform_indices = @transform_0, window_bounds = array<i64: 1024, 64>}, {transform_indices = @transform_1, window_bounds = array<i64: 64, 2048>}, {transform_indices = @transform_2, window_bounds = array<i64: 1, 2048>}, {}]} {
    %get3A = arith.constant 0 : index
    %get3A_0 = arith.constant 0 : index
    %get3A_1 = vector.load %arg2[%get3A, %get3A_0] : memref<64x2048xf32, #tpu.memory_space<vmem>>, vector<64x2048xf32>
    %get3A_2 = arith.constant 0 : index
    %get3A_3 = arith.constant 0 : index
    %get3A_4 = vector.load %arg1[%get3A_2, %get3A_3] : memref<1024x64xf32, #tpu.memory_space<vmem>>, vector<1024x64xf32>
    %dot_general3A = arith.constant dense<0.000000e+00> : vector<2048x1024xf32>
    %dot_general3A_5 = tpu.matmul %get3A_1, %get3A_4, %dot_general3A {dimension_numbers = #tpu.dot_dimension_numbers<[0], [1], [1], [0], [0, 1, 1, 0], [], []>, transpose_lhs_hint = false} : vector<64x2048xf32>, vector<1024x64xf32>, vector<2048x1024xf32> -> vector<2048x1024xf32>
    %get3A_6 = arith.constant 0 : index
    %get3A_7 = arith.constant 0 : index
    %get3A_8 = vector.load %arg3[%get3A_6, %get3A_7] : memref<1x2048xf32, #tpu.memory_space<vmem>>, vector<1x2048xf32>
    %transpose3A = tpu.transpose %get3A_8, [1, 0] : vector<1x2048xf32> -> vector<2048x1xf32>
    %add3A = vector.broadcast %transpose3A : vector<2048x1xf32> to vector<2048x1024xf32>
    %add3A_9 = arith.addf %dot_general3A_5, %add3A : vector<2048x1024xf32>
    %rem3A = arith.constant 2 : i32
    %rem3A_10 = arith.remsi %arg0, %rem3A : i32
    %eq3A = arith.constant 0 : i32
    %eq3A_11 = arith.cmpi eq, %rem3A_10, %eq3A : i32
    %ge3A = arith.constant 2 : i32
    %ge3A_12 = arith.cmpi sge, %arg0, %ge3A : i32
    %and3A = arith.andi %eq3A_11, %ge3A_12 : i1
    %convert_element_type3A = arith.extui %and3A : i1 to i32
    %cond3A = arith.constant 0 : i32
    %cond3A_13 = arith.cmpi ne, %convert_element_type3A, %cond3A : i32
    scf.if %cond3A_13 {
      %sub3A = arith.constant 2 : i32
      %sub3A_58 = arith.subi %arg0, %sub3A : i32
      %mul3A = arith.constant 2048 : i32
      %mul3A_59 = arith.muli %sub3A_58, %mul3A : i32
      %dma_wait3A = arith.constant 0 : i32
      %dma_wait3A_60 = tpu.memref_slice %arg7[%dma_wait3A] : memref<2x!tpu.dma_semaphore, #tpu.memory_space<semaphore_mem>> -> memref<1x!tpu.dma_semaphore, #tpu.memory_space<semaphore_mem>>
      %dma_wait3A_61 = tpu.memref_squeeze %dma_wait3A_60 : memref<1x!tpu.dma_semaphore, #tpu.memory_space<semaphore_mem>> -> memref<!tpu.dma_semaphore, #tpu.memory_space<semaphore_mem>>
      %dma_wait3A_62 = arith.constant 0 : i32
      %dma_wait3A_63 = tpu.memref_slice %arg4[%mul3A_59, %dma_wait3A_62] : memref<100000x1024xf32, #tpu.memory_space<any>> -> memref<2048x1024xf32, #tpu.memory_space<any>>
      %dma_wait3A_64 = arith.constant 0 : i32
      %dma_wait3A_65 = arith.constant 0 : i32
      %dma_wait3A_66 = tpu.memref_slice %arg5[%dma_wait3A_64, %dma_wait3A_65] : memref<2048x1024xf32, #tpu.memory_space<vmem>> -> memref<2048x1024xf32, #tpu.memory_space<vmem>>
      tpu.wait_dma2 semaphore(%dma_wait3A_61 : memref<!tpu.dma_semaphore, #tpu.memory_space<semaphore_mem>>) src(%dma_wait3A_66 : memref<2048x1024xf32, #tpu.memory_space<vmem>>) dst(%dma_wait3A_63 : memref<2048x1024xf32, #tpu.memory_space<any>>)
    } else {
    }
    %convert_element_type3A_14 = arith.extui %eq3A_11 : i1 to i32
    %cond3A_15 = arith.constant 0 : i32
    %cond3A_16 = arith.cmpi ne, %convert_element_type3A_14, %cond3A_15 : i32
    scf.if %cond3A_16 {
      %swap3A = arith.constant 0 : index
      %swap3A_58 = arith.constant 0 : index
      %swap3A_59 = vector.load %arg5[%swap3A, %swap3A_58] : memref<2048x1024xf32, #tpu.memory_space<vmem>>, vector<2048x1024xf32>
      tpu.vector_store %arg5[%swap3A, %swap3A_58], %add3A_9 {strides = array<i32>} : memref<2048x1024xf32, #tpu.memory_space<vmem>>, vector<2048x1024xf32>,
    } else {
    }
    %lt3A = arith.constant 48 : i32
    %lt3A_17 = arith.cmpi slt, %arg0, %lt3A : i32
    %and3A_18 = arith.andi %eq3A_11, %lt3A_17 : i1
    %convert_element_type3A_19 = arith.extui %and3A_18 : i1 to i32
    %cond3A_20 = arith.constant 0 : i32
    %cond3A_21 = arith.cmpi ne, %convert_element_type3A_19, %cond3A_20 : i32
    scf.if %cond3A_21 {
      %mul3A = arith.constant 2048 : i32
      %mul3A_58 = arith.muli %arg0, %mul3A : i32
      %dma_start3A = arith.constant 0 : i32
      %dma_start3A_59 = tpu.memref_slice %arg7[%dma_start3A] : memref<2x!tpu.dma_semaphore, #tpu.memory_space<semaphore_mem>> -> memref<1x!tpu.dma_semaphore, #tpu.memory_space<semaphore_mem>>
      %dma_start3A_60 = tpu.memref_squeeze %dma_start3A_59 : memref<1x!tpu.dma_semaphore, #tpu.memory_space<semaphore_mem>> -> memref<!tpu.dma_semaphore, #tpu.memory_space<semaphore_mem>>
      %dma_start3A_61 = arith.constant 0 : i32
      %dma_start3A_62 = tpu.memref_slice %arg4[%mul3A_58, %dma_start3A_61] : memref<100000x1024xf32, #tpu.memory_space<any>> -> memref<2048x1024xf32, #tpu.memory_space<any>>
      %dma_start3A_63 = arith.constant 0 : i32
      %dma_start3A_64 = arith.constant 0 : i32
      %dma_start3A_65 = tpu.memref_slice %arg5[%dma_start3A_63, %dma_start3A_64] : memref<2048x1024xf32, #tpu.memory_space<vmem>> -> memref<2048x1024xf32, #tpu.memory_space<vmem>>
      tpu.enqueue_dma source(%dma_start3A_65 : memref<2048x1024xf32, #tpu.memory_space<vmem>>) target(%dma_start3A_62 : memref<2048x1024xf32, #tpu.memory_space<any>>) target_semaphore(%dma_start3A_60 : memref<!tpu.dma_semaphore, #tpu.memory_space<semaphore_mem>>)
    } else {
    }
    %eq3A_22 = arith.constant 48 : i32
    %eq3A_23 = arith.cmpi eq, %arg0, %eq3A_22 : i32
    %and3A_24 = arith.andi %eq3A_11, %eq3A_23 : i1
    %convert_element_type3A_25 = arith.extui %and3A_24 : i1 to i32
    %cond3A_26 = arith.constant 0 : i32
    %cond3A_27 = arith.cmpi ne, %convert_element_type3A_25, %cond3A_26 : i32
    scf.if %cond3A_27 {
      %mul3A = arith.constant 2048 : i32
      %mul3A_58 = arith.muli %arg0, %mul3A : i32
      %dma_start3A = arith.constant 0 : i32
      %dma_start3A_59 = tpu.memref_slice %arg7[%dma_start3A] : memref<2x!tpu.dma_semaphore, #tpu.memory_space<semaphore_mem>> -> memref<1x!tpu.dma_semaphore, #tpu.memory_space<semaphore_mem>>
      %dma_start3A_60 = tpu.memref_squeeze %dma_start3A_59 : memref<1x!tpu.dma_semaphore, #tpu.memory_space<semaphore_mem>> -> memref<!tpu.dma_semaphore, #tpu.memory_space<semaphore_mem>>
      %dma_start3A_61 = arith.constant 0 : i32
      %dma_start3A_62 = tpu.memref_slice %arg4[%mul3A_58, %dma_start3A_61] : memref<100000x1024xf32, #tpu.memory_space<any>> -> memref<1696x1024xf32, #tpu.memory_space<any>>
      %dma_start3A_63 = arith.constant 0 : i32
      %dma_start3A_64 = arith.constant 0 : i32
      %dma_start3A_65 = tpu.memref_slice %arg5[%dma_start3A_63, %dma_start3A_64] : memref<2048x1024xf32, #tpu.memory_space<vmem>> -> memref<1696x1024xf32, #tpu.memory_space<vmem>>
      tpu.enqueue_dma source(%dma_start3A_65 : memref<1696x1024xf32, #tpu.memory_space<vmem>>) target(%dma_start3A_62 : memref<1696x1024xf32, #tpu.memory_space<any>>) target_semaphore(%dma_start3A_60 : memref<!tpu.dma_semaphore, #tpu.memory_space<semaphore_mem>>)
    } else {
    }
    %rem3A_28 = arith.constant 2 : i32
    %rem3A_29 = arith.remsi %arg0, %rem3A_28 : i32
    %eq3A_30 = arith.constant 1 : i32
    %eq3A_31 = arith.cmpi eq, %rem3A_29, %eq3A_30 : i32
    %ge3A_32 = arith.constant 2 : i32
    %ge3A_33 = arith.cmpi sge, %arg0, %ge3A_32 : i32
    %and3A_34 = arith.andi %eq3A_31, %ge3A_33 : i1
    %convert_element_type3A_35 = arith.extui %and3A_34 : i1 to i32
    %cond3A_36 = arith.constant 0 : i32
    %cond3A_37 = arith.cmpi ne, %convert_element_type3A_35, %cond3A_36 : i32
    scf.if %cond3A_37 {
      %sub3A = arith.constant 2 : i32
      %sub3A_58 = arith.subi %arg0, %sub3A : i32
      %mul3A = arith.constant 2048 : i32
      %mul3A_59 = arith.muli %sub3A_58, %mul3A : i32
      %dma_wait3A = arith.constant 1 : i32
      %dma_wait3A_60 = tpu.memref_slice %arg7[%dma_wait3A] : memref<2x!tpu.dma_semaphore, #tpu.memory_space<semaphore_mem>> -> memref<1x!tpu.dma_semaphore, #tpu.memory_space<semaphore_mem>>
      %dma_wait3A_61 = tpu.memref_squeeze %dma_wait3A_60 : memref<1x!tpu.dma_semaphore, #tpu.memory_space<semaphore_mem>> -> memref<!tpu.dma_semaphore, #tpu.memory_space<semaphore_mem>>
      %dma_wait3A_62 = arith.constant 0 : i32
      %dma_wait3A_63 = tpu.memref_slice %arg4[%mul3A_59, %dma_wait3A_62] : memref<100000x1024xf32, #tpu.memory_space<any>> -> memref<2048x1024xf32, #tpu.memory_space<any>>
      %dma_wait3A_64 = arith.constant 0 : i32
      %dma_wait3A_65 = arith.constant 0 : i32
      %dma_wait3A_66 = tpu.memref_slice %arg6[%dma_wait3A_64, %dma_wait3A_65] : memref<2048x1024xf32, #tpu.memory_space<vmem>> -> memref<2048x1024xf32, #tpu.memory_space<vmem>>
      tpu.wait_dma2 semaphore(%dma_wait3A_61 : memref<!tpu.dma_semaphore, #tpu.memory_space<semaphore_mem>>) src(%dma_wait3A_66 : memref<2048x1024xf32, #tpu.memory_space<vmem>>) dst(%dma_wait3A_63 : memref<2048x1024xf32, #tpu.memory_space<any>>)
    } else {
    }
    %convert_element_type3A_38 = arith.extui %eq3A_31 : i1 to i32
    %cond3A_39 = arith.constant 0 : i32
    %cond3A_40 = arith.cmpi ne, %convert_element_type3A_38, %cond3A_39 : i32
    scf.if %cond3A_40 {
      %swap3A = arith.constant 0 : index
      %swap3A_58 = arith.constant 0 : index
      %swap3A_59 = vector.load %arg6[%swap3A, %swap3A_58] : memref<2048x1024xf32, #tpu.memory_space<vmem>>, vector<2048x1024xf32>
      tpu.vector_store %arg6[%swap3A, %swap3A_58], %add3A_9 {strides = array<i32>} : memref<2048x1024xf32, #tpu.memory_space<vmem>>, vector<2048x1024xf32>,
    } else {
    }
    %lt3A_41 = arith.constant 48 : i32
    %lt3A_42 = arith.cmpi slt, %arg0, %lt3A_41 : i32
    %and3A_43 = arith.andi %eq3A_31, %lt3A_42 : i1
    %convert_element_type3A_44 = arith.extui %and3A_43 : i1 to i32
    %cond3A_45 = arith.constant 0 : i32
    %cond3A_46 = arith.cmpi ne, %convert_element_type3A_44, %cond3A_45 : i32
    scf.if %cond3A_46 {
      %mul3A = arith.constant 2048 : i32
      %mul3A_58 = arith.muli %arg0, %mul3A : i32
      %dma_start3A = arith.constant 1 : i32
      %dma_start3A_59 = tpu.memref_slice %arg7[%dma_start3A] : memref<2x!tpu.dma_semaphore, #tpu.memory_space<semaphore_mem>> -> memref<1x!tpu.dma_semaphore, #tpu.memory_space<semaphore_mem>>
      %dma_start3A_60 = tpu.memref_squeeze %dma_start3A_59 : memref<1x!tpu.dma_semaphore, #tpu.memory_space<semaphore_mem>> -> memref<!tpu.dma_semaphore, #tpu.memory_space<semaphore_mem>>
      %dma_start3A_61 = arith.constant 0 : i32
      %dma_start3A_62 = tpu.memref_slice %arg4[%mul3A_58, %dma_start3A_61] : memref<100000x1024xf32, #tpu.memory_space<any>> -> memref<2048x1024xf32, #tpu.memory_space<any>>
      %dma_start3A_63 = arith.constant 0 : i32
      %dma_start3A_64 = arith.constant 0 : i32
      %dma_start3A_65 = tpu.memref_slice %arg6[%dma_start3A_63, %dma_start3A_64] : memref<2048x1024xf32, #tpu.memory_space<vmem>> -> memref<2048x1024xf32, #tpu.memory_space<vmem>>
      tpu.enqueue_dma source(%dma_start3A_65 : memref<2048x1024xf32, #tpu.memory_space<vmem>>) target(%dma_start3A_62 : memref<2048x1024xf32, #tpu.memory_space<any>>) target_semaphore(%dma_start3A_60 : memref<!tpu.dma_semaphore, #tpu.memory_space<semaphore_mem>>)
    } else {
    }
    %eq3A_47 = arith.constant 48 : i32
    %eq3A_48 = arith.cmpi eq, %arg0, %eq3A_47 : i32
    %and3A_49 = arith.andi %eq3A_31, %eq3A_48 : i1
    %convert_element_type3A_50 = arith.extui %and3A_49 : i1 to i32
    %cond3A_51 = arith.constant 0 : i32
    %cond3A_52 = arith.cmpi ne, %convert_element_type3A_50, %cond3A_51 : i32
    scf.if %cond3A_52 {
      %mul3A = arith.constant 2048 : i32
      %mul3A_58 = arith.muli %arg0, %mul3A : i32
      %dma_start3A = arith.constant 1 : i32
      %dma_start3A_59 = tpu.memref_slice %arg7[%dma_start3A] : memref<2x!tpu.dma_semaphore, #tpu.memory_space<semaphore_mem>> -> memref<1x!tpu.dma_semaphore, #tpu.memory_space<semaphore_mem>>
      %dma_start3A_60 = tpu.memref_squeeze %dma_start3A_59 : memref<1x!tpu.dma_semaphore, #tpu.memory_space<semaphore_mem>> -> memref<!tpu.dma_semaphore, #tpu.memory_space<semaphore_mem>>
      %dma_start3A_61 = arith.constant 0 : i32
      %dma_start3A_62 = tpu.memref_slice %arg4[%mul3A_58, %dma_start3A_61] : memref<100000x1024xf32, #tpu.memory_space<any>> -> memref<1696x1024xf32, #tpu.memory_space<any>>
      %dma_start3A_63 = arith.constant 0 : i32
      %dma_start3A_64 = arith.constant 0 : i32
      %dma_start3A_65 = tpu.memref_slice %arg6[%dma_start3A_63, %dma_start3A_64] : memref<2048x1024xf32, #tpu.memory_space<vmem>> -> memref<1696x1024xf32, #tpu.memory_space<vmem>>
      tpu.enqueue_dma source(%dma_start3A_65 : memref<1696x1024xf32, #tpu.memory_space<vmem>>) target(%dma_start3A_62 : memref<1696x1024xf32, #tpu.memory_space<any>>) target_semaphore(%dma_start3A_60 : memref<!tpu.dma_semaphore, #tpu.memory_space<semaphore_mem>>)
    } else {
    }
    %eq3A_53 = arith.constant 48 : i32
    %eq3A_54 = arith.cmpi eq, %arg0, %eq3A_53 : i32
    %convert_element_type3A_55 = arith.extui %eq3A_54 : i1 to i32
    %cond3A_56 = arith.constant 0 : i32
    %cond3A_57 = arith.cmpi ne, %convert_element_type3A_55, %cond3A_56 : i32
    scf.if %cond3A_57 {
      %dma_wait3A = arith.constant 1 : i32
      %dma_wait3A_58 = tpu.memref_slice %arg7[%dma_wait3A] : memref<2x!tpu.dma_semaphore, #tpu.memory_space<semaphore_mem>> -> memref<1x!tpu.dma_semaphore, #tpu.memory_space<semaphore_mem>>
      %dma_wait3A_59 = tpu.memref_squeeze %dma_wait3A_58 : memref<1x!tpu.dma_semaphore, #tpu.memory_space<semaphore_mem>> -> memref<!tpu.dma_semaphore, #tpu.memory_space<semaphore_mem>>
      %dma_wait3A_60 = arith.constant 0 : i32
      %dma_wait3A_61 = arith.constant 0 : i32
      %dma_wait3A_62 = tpu.memref_slice %arg4[%dma_wait3A_60, %dma_wait3A_61] : memref<100000x1024xf32, #tpu.memory_space<any>> -> memref<2048x1024xf32, #tpu.memory_space<any>>
      %dma_wait3A_63 = arith.constant 0 : i32
      %dma_wait3A_64 = arith.constant 0 : i32
      %dma_wait3A_65 = tpu.memref_slice %arg6[%dma_wait3A_63, %dma_wait3A_64] : memref<2048x1024xf32, #tpu.memory_space<vmem>> -> memref<2048x1024xf32, #tpu.memory_space<vmem>>
      tpu.wait_dma2 semaphore(%dma_wait3A_59 : memref<!tpu.dma_semaphore, #tpu.memory_space<semaphore_mem>>) src(%dma_wait3A_65 : memref<2048x1024xf32, #tpu.memory_space<vmem>>) dst(%dma_wait3A_62 : memref<2048x1024xf32, #tpu.memory_space<any>>)
      %dma_wait3A_66 = arith.constant 0 : i32
      %dma_wait3A_67 = tpu.memref_slice %arg7[%dma_wait3A_66] : memref<2x!tpu.dma_semaphore, #tpu.memory_space<semaphore_mem>> -> memref<1x!tpu.dma_semaphore, #tpu.memory_space<semaphore_mem>>
      %dma_wait3A_68 = tpu.memref_squeeze %dma_wait3A_67 : memref<1x!tpu.dma_semaphore, #tpu.memory_space<semaphore_mem>> -> memref<!tpu.dma_semaphore, #tpu.memory_space<semaphore_mem>>
      %dma_wait3A_69 = arith.constant 0 : i32
      %dma_wait3A_70 = arith.constant 0 : i32
      %dma_wait3A_71 = tpu.memref_slice %arg4[%dma_wait3A_69, %dma_wait3A_70] : memref<100000x1024xf32, #tpu.memory_space<any>> -> memref<1696x1024xf32, #tpu.memory_space<any>>
      %dma_wait3A_72 = arith.constant 0 : i32
      %dma_wait3A_73 = arith.constant 0 : i32
      %dma_wait3A_74 = tpu.memref_slice %arg5[%dma_wait3A_72, %dma_wait3A_73] : memref<2048x1024xf32, #tpu.memory_space<vmem>> -> memref<1696x1024xf32, #tpu.memory_space<vmem>>
      tpu.wait_dma2 semaphore(%dma_wait3A_68 : memref<!tpu.dma_semaphore, #tpu.memory_space<semaphore_mem>>) src(%dma_wait3A_74 : memref<1696x1024xf32, #tpu.memory_space<vmem>>) dst(%dma_wait3A_71 : memref<1696x1024xf32, #tpu.memory_space<any>>)
    } else {
    }
    return
  }
  func.func @transform_0(%arg0: i32) -> (i32, i32) {
    %c0_i32 = arith.constant 0 : i32
    %c0_i32_0 = arith.constant 0 : i32
    %c0_i32_1 = arith.constant 0 : i32
    return %c0_i32, %c0_i32_0 : i32, i32
  }
  func.func @transform_1(%arg0: i32) -> (i32, i32) {
    %c0_i32 = arith.constant 0 : i32
    %c0_i32_0 = arith.constant 0 : i32
    return %c0_i32, %arg0 : i32, i32
  }
  func.func @transform_2(%arg0: i32) -> (i32, i32) {
    %c0_i32 = arith.constant 0 : i32
    %c0_i32_0 = arith.constant 0 : i32
    return %c0_i32, %arg0 : i32, i32
  }
}

</mosaic_0001>

<sc_bundles>
// kernel: kernel.4.cloned.1.call-start
scs
__scs_entry_jumppad:
0x0: {  	(pc) =	sbr.rel $0x88, $3  }
0x1: {  	(tag) =	ssettag $0x0;
	lr =	simm.s32 $0x1  }
0x2: {  	[smem:$0x3F9D] =	sst lr;
	_ =	strace $0xD0000000  }
0x3: {  	_ = 	snop  }
0x4: {  	_ = 	snop  }
0x5: {  	_ = 	snop  }
0x6: {  	_ = 	snop  }
0x7: {  	_ = 	snop  }
__scs_overlays_trampoline_lowered:
0x8: {  	[smem:$0x3FAC] =	sst s0  }
0x9: {  	[smem:$0x3FAD] =	sst s1  }
0xa: {  	[smem:$0x3FAE] =	sst s2  }
0xb: {  	[smem:$0x3FAF] =	sst s3  }
0xc: {  	[smem:$0x3FB0] =	sst s4  }
0xd: {  	[smem:$0x3FB1] =	sst s5  }
0xe: {  	[smem:$0x3FB2] =	sst s6  }
0xf: {  	[smem:$0x3FB3] =	sst s7  }
0x10: {  	[smem:$0x3FB4] =	sst s8  }
0x11: {  	[smem:$0x3FB5] =	sst s9;
	s0 =	simm.s32 @!p0 $0x0  }
0x12: {  	s1 =	sld [smem:$0x3F9B];
	s0 =	simm.s32 @p0 $0x1  }
0x13: {  	[smem:$0x3FB6] =	sst s0;
	s0 =	simm.s32 @!p1 $0x0  }
0x14: {  	s2 =	sld [smem:$0x3F9A];
	s0 =	simm.s32 @p1 $0x1  }
0x15: {  	[smem:$0x3FB7] =	sst s0;
	s0 =	simm.s32 @!p2 $0x0  }
0x16: {  	s3 =	sld [smem:$0x3FDB];
	s0 =	simm.s32 @p2 $0x1  }
0x17: {  	s4 =	simm.s32 $0x1BF5;
	[smem:$0x3FB9] =	sst s0  }
0x18: {  	s0 =	sld [smem:$0x3F9C];
	_ =	swait.ge [sflag:s4], $0x0  }
0x19: {  	s7 =	sld [smem:$0x3F9D]  }
0x1a: {  	s8 =	sadd.s32 $0xFFFFE003, lr  }
0x1b: {  	s9 =	sadd.s32 $0xFFFFFEF7, lr;
	s5 =	simm.s32 $0xFFFFFFFF;
	p2 =	slt.u32 s8, $0xFFFFF086  }
0x1c: {  	p1 =	slt.u32 s9, $0xF7A;
	s5 =	simm.s32 @!p2 $0x0  }
0x1d: {  	s5 =	simm.s32 @p1 $0x1;
	p0 =	seq.s32 s7, s2  }
0x1e: {  	s7 =	smul.u32 @!p0 $0xF7A, s2;
	p2 =	seq.s32 @!p0 s5, $0x0  }
0x1f: {  	s9 =	smul.u32 $0xF7A, s1;
	s8 =	simm.s32 @!p0 $0x1BF5;
	p2 =	por !p2, p0  }
0x20: {  	[sflag:s8] =	ssyncset.s32 @!p0 $0xFFFFF086;
	s6 =	sadd.s32 @!p0 s3, s7;
	s7 =	simm.s32 @!p0 $0x108  }
0x21: {  	s3 =	sadd.s32 s3, s9;
	s6 =	sadd.s32 @!p0 $0x88, s6;
	s7 =	simm.s32 @p2 $0x1082  }
0x22: {  	[simem:s7], [sflag:s8] =	dma.local @!p0 [hbm:s6], $0xF7A  }
0x23: {  	s9 =	sor.u32 $0xD0000000, s2;
	s6 =	simm.s32 $0x108;
	_ =	swait.ge @!p0 [sflag:s8], $0x0  }
0x24: {  	s3 =	sadd.s32 $0x88, s3;
	s6 =	simm.s32 @!p1 $0x1082;
	[sflag:s4] =	ssyncset.s32 $0xFFFFF086  }
0x25: {  	[simem:s6], [sflag:s4] =	dma.local [hbm:s3], $0xF7A  }
0x26: {  	[smem:$0x3F9D] =	sst s1;
	(tag) =	ssettag s2;
	_ =	strace s9  }
0x27: {  	s1 =	sld [smem:$0x3FAD]  }
0x28: {  	s2 =	sld [smem:$0x3FAE]  }
0x29: {  	s4 =	sld [smem:$0x3FB0]  }
0x2a: {  	p0 =	seq.s32 s5, $0x0;
	s5 =	sld [smem:$0x3FB1]  }
0x2b: {  	s6 =	sld [smem:$0x3FB2]  }
0x2c: {  	s7 =	sld [smem:$0x3FB3]  }
0x2d: {  	s3 =	simm.s32 $0x108;
	s8 =	sld [smem:$0x3FB4]  }
0x2e: {  	s3 =	simm.s32 @!p0 $0x1082;
	s9 =	sld [smem:$0x3FB5]  }
0x2f: {  	lr =	sadd.s32 s0, s3;
	s0 =	sld [smem:$0x3FAC]  }
0x30: {  	s3 =	sld [smem:$0x3FAF]  }
0x31: {  	[smem:$0x3FB8] =	sst s10  }
0x32: {  	s10 =	sld [smem:$0x3FB6];
	_ =	sdelay $0x3  }
0x33: {  	p0 =	seq.s32 s10, $0x1;
	s10 =	sld [smem:$0x3FB8];
	_ =	sdelay $0x3  }
0x34: {  	[smem:$0x3FB8] =	sst s10  }
0x35: {  	s10 =	sld [smem:$0x3FB7];
	_ =	sdelay $0x3  }
0x36: {  	p1 =	seq.s32 s10, $0x1;
	s10 =	sld [smem:$0x3FB8];
	_ =	sdelay $0x3  }
0x37: {  	[smem:$0x3FB8] =	sst s10  }
0x38: {  	s10 =	sld [smem:$0x3FB9]  }
0x39: {  	_ = 	snop;
	(pc) =	sbr.ind lr, $3  }
0x3a: {  	_ = 	snop  }
0x3b: {  	_ = 	snop  }
0x3c: {  	p2 =	seq.s32 s10, $0x1;
	s10 =	sld [smem:$0x3FB8]  }
0x3d: {  	_ =	shalt  }
0x3e: {  	_ =	shalt  }
0x3f: {  	_ =	shalt  }
0x40: {  	_ =	shalt  }
0x41: {  	_ =	shalt  }
0x42: {  	_ =	shalt  }
0x43: {  	_ =	shalt  }
0x44: {  	_ =	shalt  }
0x45: {  	_ =	shalt  }
0x46: {  	_ =	shalt  }
0x47: {  	_ =	shalt  }
0x48: {  	_ =	shalt  }
0x49: {  	_ =	shalt  }
0x4a: {  	_ =	shalt  }
0x4b: {  	_ =	shalt  }
0x4c: {  	_ =	shalt  }
0x4d: {  	_ =	shalt  }
0x4e: {  	_ =	shalt  }
0x4f: {  	_ =	shalt  }
0x50: {  	_ =	shalt  }
0x51: {  	_ =	shalt  }
0x52: {  	_ =	shalt  }
0x53: {  	_ =	shalt  }
0x54: {  	_ =	shalt  }
0x55: {  	_ =	shalt  }
0x56: {  	_ =	shalt  }
0x57: {  	_ =	shalt  }
0x58: {  	_ =	shalt  }
0x59: {  	_ =	shalt  }
0x5a: {  	_ =	shalt  }
0x5b: {  	_ =	shalt  }
0x5c: {  	_ =	shalt  }
0x5d: {  	_ =	shalt  }
0x5e: {  	_ =	shalt  }
0x5f: {  	_ =	shalt  }
0x60: {  	_ =	shalt  }
0x61: {  	_ =	shalt  }
0x62: {  	_ =	shalt  }
0x63: {  	_ =	shalt  }
0x64: {  	_ =	shalt  }
0x65: {  	_ =	shalt  }
0x66: {  	_ =	shalt  }
0x67: {  	_ =	shalt  }
0x68: {  	_ =	shalt  }
0x69: {  	_ =	shalt  }
0x6a: {  	_ =	shalt  }
0x6b: {  	_ =	shalt  }
0x6c: {  	_ =	shalt  }
0x6d: {  	_ =	shalt  }
0x6e: {  	_ =	shalt  }
0x6f: {  	_ =	shalt  }
0x70: {  	_ =	shalt  }
0x71: {  	_ =	shalt  }
0x72: {  	_ =	shalt  }
0x73: {  	_ =	shalt  }
0x74: {  	_ =	shalt  }
0x75: {  	_ =	shalt  }
0x76: {  	_ =	shalt  }
0x77: {  	_ =	shalt  }
0x78: {  	_ =	shalt  }
0x79: {  	_ =	shalt  }
0x7a: {  	_ =	shalt  }
0x7b: {  	_ =	shalt  }
0x7c: {  	_ =	shalt  }
0x7d: {  	_ =	shalt  }
0x7e: {  	_ =	shalt  }
0x7f: {  	_ =	shalt  }
0x80: {  	_ =	shalt  }
0x81: {  	_ =	shalt  }
0x82: {  	_ =	shalt  }
0x83: {  	_ =	shalt  }
0x84: {  	_ =	shalt  }
0x85: {  	_ =	shalt  }
0x86: {  	_ =	shalt  }
0x87: {  	_ =	shalt  }
.Lfunc_end0:
.L_simem_size_0:
called_computation_lowered:
.L_overlay_start_0:
0x88: {  	s2 =	sld [smem:$0x3FD9]  }
0x89: {  	s3 =	sld [smem:$0x3FFE];
	_ =	sdelay $0x1  }
0x8a: {  	s1 =	srdreg.scid  }
0x8b: {  	s0 =	sand.u32 $0x1, s1  }
0x8c: {  	s17 =	sshll.u32 s0, $0xA;
	s2 =	sadd.s32 s3, s2  }
0x8d: {  	s2 =	sadd.s32 s2, s17  }
0x8e: {  	[smem:$0x3FC4] =	sst s2  }
0x8f: {  	_ = 	snop  }
0x90: {  	s2 =	sld [smem:$0x3FD0];
	(tm) =	ssettm $0x1  }
0x91: {  	s18 =	sld [smem:$0x3FFB];
	_ =	sdelay $0x3  }
0x92: {  	_ =	strace s18  }
0x93: {  	s3 =	sld [smem:$0x3FFC];
	_ =	sdelay $0x3  }
0x94: {  	_ =	strace s3  }
0x95: {  	s3 =	sld [smem:$0x3FFD];
	_ =	sdelay $0x3  }
0x96: {  	_ =	strace s3  }
0x97: {  	_ =	strace $0x8FFFFFFF  }
0x98: {  	s19 =	sld [smem:$0x3FDB];
	_ =	sdelay $0x1  }
0x99: {  	s4 =	simm.s32 $_scs_section_size  }
0x9a: {  	s5 =	simm.s32 $_size__tile_overlayer_lowered;
	s6 =	simm.s32 $_tile_overlayer_lowered  }
0x9b: {  	s22 =	simm.s32 $0x1BFF;
	s21 =	sshll.u32 s6, $0x1;
	s3 =	sadd.s32 s4, s19  }
0x9c: {  	s7 =	simm.s32 $0x0;
	s20 =	sshll.u32 s5, $0x1;
	s5 =	sadd.s32 s21, s3  }
0x9d: {  	[timem:s7], [sflag:s22] =	dma.local [hbm:s5], s20  }
0x9e: {  	_ =	swait.ge [sflag:s22], s20  }
0x9f: {  	s4 =	ssub.s32 $0x0, s20;
	[sflag:s22] =	ssyncset.done $0x0  }
0xa0: {  	[sflag:s22] =	ssyncadd.s32 s4;
	_ =	sdelay $0x1  }
0xa1: {  	s23 =	simm.s32 $0x1B8B  }
0xa2: {  	_ =	swait.ge [sflag:s23], $0x1  }
0xa3: {  	[sflag:s23] =	ssyncset.done $0x0  }
0xa4: {  	s25 =	simm.s32 $0x1B8E;
	s24 =	sld [smem:$0x3FFE];
	[sflag:s23] =	ssyncadd.s32 $0xFFFFFFFF  }
0xa5: {  	s26 =	simm.s32 $execute0_lowered;
	[smem:$0x3FD2] =	sst s25  }
0xa6: {  	s5 =	sshll.u32 s26, $0x1;
	_ =	strace $0x80000046;
	[dreg:$0x1] =	wrdreg $0xFFFFFFFF  }
0xa7: {  	s28 =	simm.s32 $_size_execute0_lowered;
	s3 =	sadd.s32 s3, s5;
	[dreg:$0x0] =	wrdreg $0x0  }
0xa8: {  	s5 =	sshll.u32 s28, $0x1;
	[dreg:$0x2] =	wrdreg s3  }
0xa9: {  	[dreg:$0x3] =	wrdreg s5  }
0xaa: {  	[dreg:$0x4] =	wrdreg $0xC0  }
0xab: {  	_ =	task [dreg:s7], $0x5FFFF  }
0xac: {  	[dreg:$0x1] =	wrdreg $0xFFFFFFFF  }
0xad: {  	[dreg:$0x0] =	wrdreg $0x60  }
0xae: {  	[dreg:$0x2] =	wrdreg s24  }
0xaf: {  	[dreg:$0x3] =	wrdreg s2  }
0xb0: {  	[dreg:$0x4] =	wrdreg $0x9  }
0xb1: {  	_ =	task.clear_ibuf [dreg:s7], $0x5FFFF;
	_ =	strace $0x90000046  }
0xb2: {  	s29 =	simm.s32 $0x9;
	_ =	strace $0x80000048  }
0xb3: {  	_ =	swait.ge [sflag:s29], $0x1  }
0xb4: {  	[sflag:s29] =	ssyncadd.s32 $0xFFFFFFFF  }
0xb5: {  	_ =	strace $0x90000048  }
0xb6: {  	_ =	sfence  }
0xb7: {  	s30 =	sld [smem:$0x0];
	_ =	sdelay $0x2  }
0xb8: {  	s31 =	sshll.u32 s1, $0xD;
	s1 =	sshrl.u32 s1, $0x2  }
0xb9: {  	s3 =	sand.u32 $0x4000, s31;
	s1 =	sadd.s32 s1, s30  }
0xba: {  	s0 =	sor.u32 s3, s0;
	s1 =	sshll.u32 s1, $0x11  }
0xbb: {  	s0 =	sor.u32 s1, s0  }
0xbc: {  	s0 =	sadd.s32 $0x8F2B, s0  }
0xbd: {  	[sflag:s0] =	ssyncadd.remote.s32 $0x1  }
0xbe: {  	_ =	sfence.sel $0xFFFF  }
0xbf: {  	[dreg:$0x0] =	wrdreg $0xFFFFFFFF;
	(pc) =	sbr.abs _section_cstart, $3  }
0xc0: {  	[dreg:$0x1] =	wrdreg $0xFFFFFFFF  }
0xc1: {  	_ =	task.clear_ibuf [dreg:s7], $0x2FFFF;
	_ =	strace $0x9FFFFFFF  }
0xc2: {  	(tm) =	ssettm $0x7FFFFFFF  }
0xc3: {  	_ =	shalt  }
tec
execute0_lowered:
.L_overlay_start_1:
0x0: {  	(tag) =	ssettag $0x1  }
0x1: {  	s0 =	rddreg [dreg:$0x0]  }
0x2: {  	s1 =	srdreg.scid;
	s2 =	stileid.u32  }
0x3: {  	s5 =	rddreg [dreg:$0x1];
	s7 =	simm.s32 $0x2;
	s8 =	simm.s32 $0x50  }
0x4: {  	s31 =	simm.s32 $0xE240;
	s9 =	simm.s32 $0x410;
	s10 =	simm.s32 $0x10A40  }
0x5: {  	s11 =	simm.s32 $0x460;
	s12 =	simm.s32 $0x11E40;
	s13 =	simm.s32 $0x4B0  }
0x6: {  	s14 =	simm.s32 $0x13240;
	s15 =	simm.s32 $0x500;
	s16 =	simm.s32 $0x14640  }
0x7: {  	s17 =	simm.s32 $0x550;
	s18 =	simm.s32 $0x15A40;
	s19 =	simm.s32 $0x5A0  }
0x8: {  	s20 =	simm.s32 $0x16E40;
	s21 =	simm.s32 $0x5F0;
	s22 =	simm.s32 $0x18240  }
0x9: {  	s23 =	simm.s32 $0x1;
	s24 =	simm.s32 $0x19640;
	s25 =	simm.s32 $0x0  }
0xa: {  	s1 =	sand.u32 $0x1, s1;
	s3 =	sshll.u32 s2, $0x1;
	s2 =	simm.s32 $0x0  }
0xb: {  	s6 =	sor.u32 s1, s3;
	[smem:$0x7FF] =	sst s2;
	s1 =	ssub.s32 $0x2, s1  }
0xc: {  	s3 =	sadd.s32 $0x2000, s0;
	s4 =	smul.u32 $0xC8, s6;
	s29 =	sshrl.u32 s1, $0x1  }
0xd: {  	_ =	strace $0x80000047;
	s30 =	sshll.u32 s6, $0x8;
	s1 =	ssub.s32 s1, s29  }
0xe: {  	s5 =	sadd.s32 s5, s30;
	s0 =	sadd.s32 s4, s0;
	s6 =	smax.u32 s1, $0x1  }
0xf: {  	s1 =	simm.s32 $0x3C0;
	s4 =	sadd.s32 $0x600, s0;
	s0 =	simm.s32 $0xF640  }
.LBB2_1:
0x10: {  	[tilespmem:s2], [sflag:$0x2] =	stream.linear.gather [hbm4b:s4+s2], $0x640, $0x38;
	[tilespmem:$0x19E40] =	vst v63  }
0x11: {  	_ =	swait.ge [sflag:s7], $0x640  }
0x12: {  	[sflag:s7] =	ssyncset.done $0x0  }
0x13: {  	s26 =	simm.s32 $0x640;
	[sflag:s7] =	ssyncadd.s32 $0xFFFFF9C0  }
0x14: {  	[tilespmem:s26], [sflag:$0x1] =	stream.indirect.gather [hbm4b:s3+s8], $0x40, s2, s8, $0xb8;
	[tilespmem:$0x19E40] =	vst v63  }
0x15: {  	s30 =	simm.s32 $0x1A40  }
0x16: {  	[tilespmem:s30], [sflag:$0x1] =	stream.indirect.gather [hbm4b:s3+s8], $0x40, s8, s8, $0xb8;
	[tilespmem:$0x19E40] =	vst v63  }
0x17: {  	s29 =	simm.s32 $0xA0;
	s28 =	simm.s32 $0x2E40  }
0x18: {  	[tilespmem:s28], [sflag:$0x1] =	stream.indirect.gather [hbm4b:s3+s8], $0x40, s29, s8, $0xb8;
	[tilespmem:$0x19E40] =	vst v63  }
0x19: {  	s30 =	simm.s32 $0xF0;
	s28 =	simm.s32 $0x4240  }
0x1a: {  	[tilespmem:s28], [sflag:$0x1] =	stream.indirect.gather [hbm4b:s3+s8], $0x40, s30, s8, $0xb8;
	[tilespmem:$0x19E40] =	vst v63  }
0x1b: {  	s29 =	simm.s32 $0x140;
	s28 =	simm.s32 $0x5640  }
0x1c: {  	[tilespmem:s28], [sflag:$0x1] =	stream.indirect.gather [hbm4b:s3+s8], $0x40, s29, s8, $0xb8;
	[tilespmem:$0x19E40] =	vst v63  }
0x1d: {  	s30 =	simm.s32 $0x190;
	s28 =	simm.s32 $0x6A40  }
0x1e: {  	[tilespmem:s28], [sflag:$0x1] =	stream.indirect.gather [hbm4b:s3+s8], $0x40, s30, s8, $0xb8;
	[tilespmem:$0x19E40] =	vst v63  }
0x1f: {  	s29 =	simm.s32 $0x1E0;
	s28 =	simm.s32 $0x7E40  }
0x20: {  	[tilespmem:s28], [sflag:$0x1] =	stream.indirect.gather [hbm4b:s3+s8], $0x40, s29, s8, $0xb8;
	[tilespmem:$0x19E40] =	vst v63  }
0x21: {  	s30 =	simm.s32 $0x230;
	s28 =	simm.s32 $0x9240  }
0x22: {  	[tilespmem:s28], [sflag:$0x1] =	stream.indirect.gather [hbm4b:s3+s8], $0x40, s30, s8, $0xb8;
	[tilespmem:$0x19E40] =	vst v63  }
0x23: {  	s29 =	simm.s32 $0x280;
	s28 =	simm.s32 $0xA640  }
0x24: {  	[tilespmem:s28], [sflag:$0x1] =	stream.indirect.gather [hbm4b:s3+s8], $0x40, s29, s8, $0xb8;
	[tilespmem:$0x19E40] =	vst v63  }
0x25: {  	s30 =	simm.s32 $0x2D0;
	s28 =	simm.s32 $0xBA40  }
0x26: {  	[tilespmem:s28], [sflag:$0x1] =	stream.indirect.gather [hbm4b:s3+s8], $0x40, s30, s8, $0xb8;
	[tilespmem:$0x19E40] =	vst v63  }
0x27: {  	s29 =	simm.s32 $0x320;
	s28 =	simm.s32 $0xCE40  }
0x28: {  	[tilespmem:s28], [sflag:$0x1] =	stream.indirect.gather [hbm4b:s3+s8], $0x40, s29, s8, $0xb8;
	[tilespmem:$0x19E40] =	vst v63  }
0x29: {  	s30 =	simm.s32 $0x370  }
0x2a: {  	[tilespmem:s31], [sflag:$0x1] =	stream.indirect.gather [hbm4b:s3+s8], $0x40, s30, s8, $0xb8;
	[tilespmem:$0x19E40] =	vst v63  }
0x2b: {  	_ = 	snop  }
0x2c: {  	[tilespmem:s0], [sflag:$0x1] =	stream.indirect.gather [hbm4b:s3+s8], $0x40, s1, s8, $0xb8;
	[tilespmem:$0x19E40] =	vst v63  }
0x2d: {  	_ = 	snop  }
0x2e: {  	[tilespmem:s10], [sflag:$0x1] =	stream.indirect.gather [hbm4b:s3+s8], $0x40, s9, s8, $0xb8;
	[tilespmem:$0x19E40] =	vst v63  }
0x2f: {  	_ = 	snop  }
0x30: {  	[tilespmem:s12], [sflag:$0x1] =	stream.indirect.gather [hbm4b:s3+s8], $0x40, s11, s8, $0xb8;
	[tilespmem:$0x19E40] =	vst v63  }
0x31: {  	_ = 	snop  }
0x32: {  	[tilespmem:s14], [sflag:$0x1] =	stream.indirect.gather [hbm4b:s3+s8], $0x40, s13, s8, $0xb8;
	[tilespmem:$0x19E40] =	vst v63  }
0x33: {  	_ = 	snop  }
0x34: {  	[tilespmem:s16], [sflag:$0x1] =	stream.indirect.gather [hbm4b:s3+s8], $0x40, s15, s8, $0xb8;
	[tilespmem:$0x19E40] =	vst v63  }
0x35: {  	_ = 	snop  }
0x36: {  	[tilespmem:s18], [sflag:$0x1] =	stream.indirect.gather [hbm4b:s3+s8], $0x40, s17, s8, $0xb8;
	[tilespmem:$0x19E40] =	vst v63  }
0x37: {  	_ = 	snop  }
0x38: {  	[tilespmem:s20], [sflag:$0x1] =	stream.indirect.gather [hbm4b:s3+s8], $0x40, s19, s8, $0xb8;
	[tilespmem:$0x19E40] =	vst v63  }
0x39: {  	_ = 	snop  }
0x3a: {  	[tilespmem:s22], [sflag:$0x1] =	stream.indirect.gather [hbm4b:s3+s8], $0x40, s21, s8, $0xb8;
	[tilespmem:$0x19E40] =	vst v63  }
0x3b: {  	_ =	swait.ge [sflag:s23], $0x1400  }
0x3c: {  	[sflag:s23] =	ssyncset.done $0x0  }
0x3d: {  	[sflag:s23] =	ssyncadd.s32 $0xFFFFEC00  }
0x3e: {  	_ =	swait.ge [sflag:s23], $0x1400  }
0x3f: {  	[sflag:s23] =	ssyncset.done $0x0  }
0x40: {  	[sflag:s23] =	ssyncadd.s32 $0xFFFFEC00  }
0x41: {  	_ =	swait.ge [sflag:s23], $0x1400  }
0x42: {  	[sflag:s23] =	ssyncset.done $0x0  }
0x43: {  	[sflag:s23] =	ssyncadd.s32 $0xFFFFEC00  }
0x44: {  	_ =	swait.ge [sflag:s23], $0x1400  }
0x45: {  	[sflag:s23] =	ssyncset.done $0x0  }
0x46: {  	[sflag:s23] =	ssyncadd.s32 $0xFFFFEC00  }
0x47: {  	_ =	swait.ge [sflag:s23], $0x1400  }
0x48: {  	[sflag:s23] =	ssyncset.done $0x0  }
0x49: {  	[sflag:s23] =	ssyncadd.s32 $0xFFFFEC00  }
0x4a: {  	_ =	swait.ge [sflag:s23], $0x1400  }
0x4b: {  	[sflag:s23] =	ssyncset.done $0x0  }
0x4c: {  	[sflag:s23] =	ssyncadd.s32 $0xFFFFEC00  }
0x4d: {  	_ =	swait.ge [sflag:s23], $0x1400  }
0x4e: {  	[sflag:s23] =	ssyncset.done $0x0  }
0x4f: {  	[sflag:s23] =	ssyncadd.s32 $0xFFFFEC00  }
0x50: {  	_ =	swait.ge [sflag:s23], $0x1400  }
0x51: {  	[sflag:s23] =	ssyncset.done $0x0  }
0x52: {  	[sflag:s23] =	ssyncadd.s32 $0xFFFFEC00  }
0x53: {  	_ =	swait.ge [sflag:s23], $0x1400  }
0x54: {  	[sflag:s23] =	ssyncset.done $0x0  }
0x55: {  	[sflag:s23] =	ssyncadd.s32 $0xFFFFEC00  }
0x56: {  	_ =	swait.ge [sflag:s23], $0x1400  }
0x57: {  	[sflag:s23] =	ssyncset.done $0x0  }
0x58: {  	[sflag:s23] =	ssyncadd.s32 $0xFFFFEC00  }
0x59: {  	_ =	swait.ge [sflag:s23], $0x1400  }
0x5a: {  	[sflag:s23] =	ssyncset.done $0x0  }
0x5b: {  	[sflag:s23] =	ssyncadd.s32 $0xFFFFEC00  }
0x5c: {  	_ =	swait.ge [sflag:s23], $0x1400  }
0x5d: {  	[sflag:s23] =	ssyncset.done $0x0  }
0x5e: {  	[sflag:s23] =	ssyncadd.s32 $0xFFFFEC00  }
0x5f: {  	_ =	swait.ge [sflag:s23], $0x1400  }
0x60: {  	[sflag:s23] =	ssyncset.done $0x0  }
0x61: {  	[sflag:s23] =	ssyncadd.s32 $0xFFFFEC00  }
0x62: {  	_ =	swait.ge [sflag:s23], $0x1400  }
0x63: {  	[sflag:s23] =	ssyncset.done $0x0  }
0x64: {  	[sflag:s23] =	ssyncadd.s32 $0xFFFFEC00  }
0x65: {  	_ =	swait.ge [sflag:s23], $0x1400  }
0x66: {  	[sflag:s23] =	ssyncset.done $0x0  }
0x67: {  	[sflag:s23] =	ssyncadd.s32 $0xFFFFEC00  }
0x68: {  	_ =	swait.ge [sflag:s23], $0x1400  }
0x69: {  	[sflag:s23] =	ssyncset.done $0x0  }
0x6a: {  	[sflag:s23] =	ssyncadd.s32 $0xFFFFEC00  }
0x6b: {  	_ =	swait.ge [sflag:s23], $0x1400  }
0x6c: {  	[sflag:s23] =	ssyncset.done $0x0  }
0x6d: {  	[sflag:s23] =	ssyncadd.s32 $0xFFFFEC00  }
0x6e: {  	_ =	swait.ge [sflag:s23], $0x1400  }
0x6f: {  	[sflag:s23] =	ssyncset.done $0x0  }
0x70: {  	[sflag:s23] =	ssyncadd.s32 $0xFFFFEC00  }
0x71: {  	_ =	swait.ge [sflag:s23], $0x1400  }
0x72: {  	[sflag:s23] =	ssyncset.done $0x0  }
0x73: {  	[sflag:s23] =	ssyncadd.s32 $0xFFFFEC00  }
0x74: {  	_ =	swait.ge [sflag:s23], $0x1400  }
0x75: {  	[sflag:s23] =	ssyncset.done $0x0  }
0x76: {  	s26 =	simm.s32 $0x6E0;
	s28 =	simm.s32 $0x0;
	[sflag:s23] =	ssyncadd.s32 $0xFFFFEC00  }
.LBB2_2:
0x77: {  	v5 =	vld [tilespmem:s26+$0xFFFFFF60]  }
0x78: {  	v25 =	vld [tilespmem:s26+$0x70]  }
0x79: {  	v27 =	vld [tilespmem:s26+$0x80]  }
0x7a: {  	v35 =	vld [tilespmem:s26+$0xFFFFFFF0]  }
0x7b: {  	v39 =	vld [tilespmem:s26+$0xFFFFFFE0]  }
0x7c: {  	v8 =	vld [tilespmem:s26+$0x60]  }
0x7d: {  	v38 =	vld [tilespmem:s26+$0x0]  }
0x7e: {  	v37 =	vld [tilespmem:s26+$0x30]  }
0x7f: {  	v34 =	vld [tilespmem:s26+$0x10]  }
0x80: {  	v33 =	vld [tilespmem:s26+$0x20];
	v0 =	vmul.f32 v35, v35;
	v1 =	vmul.f32 v39, v39  }
0x81: {  	v7 =	vld [tilespmem:s26+$0x40]  }
0x82: {  	v9 =	vld [tilespmem:s26+$0xFFFFFFB0];
	v2 =	vmul.f32 v38, v38;
	v0 =	vadd.f32 v0, v1  }
0x83: {  	v11 =	vld [tilespmem:s26+$0xFFFFFFA0]  }
0x84: {  	v48 =	vld [tilespmem:s26+$0x50];
	v1 =	vmul.f32 v34, v34;
	v0 =	vadd.f32 v2, v0  }
0x85: {  	v10 =	vld [tilespmem:s26+$0xFFFFFFC0];
	v3 =	vmul.f32 v33, v33;
	v2 =	vmul.f32 v37, v37  }
0x86: {  	v15 =	vld [tilespmem:s26+$0xFFFFFF70];
	v0 =	vadd.f32 v1, v0  }
0x87: {  	v13 =	vld [tilespmem:s26+$0xFFFFFFD0];
	v4 =	vmul.f32 v25, v25;
	v2 =	vadd.f32 v2, v3;
	v3 =	vmul.f32 v7, v7  }
0x88: {  	v49 =	vld [tilespmem:s26+$0xFFFFFF80];
	[tilespmem:$0x1FF00] =	vst v9;
	v9 =	vmul.f32 v9, v9;
	(xrf2) =	vadd.scan.msk.f32 $0xffff, v0;
	v0 =	vmul.f32 v11, v11  }
0x89: {  	v61 =	vld [tilespmem:s26+$0x90];
	v6 =	vmul.f32 v27, v27;
	v2 =	vadd.f32 v3, v2;
	v3 =	vmul.f32 v48, v48  }
0x8a: {  	v16 =	vld [tilespmem:s26+$0xFFFFFF90];
	v62 =	vmul.f32 v8, v8;
	v12 =	vmul.f32 v10, v10;
	v0 =	vadd.f32 v9, v0  }
0x8b: {  	v14 =	vmul.f32 v15, v15;
	v1 =	vmul.f32 v5, v5;
	v2 =	vadd.f32 v3, v2  }
0x8c: {  	v63 =	vmul.f32 v13, v13;
	v4 =	vadd.f32 v4, v62;
	v0 =	vadd.f32 v12, v0  }
0x8d: {  	v1 =	vadd.f32 v14, v1;
	v3 =	vmul.f32 v49, v49;
	(xrf2) =	vadd.scan.msk.f32 $0xffff, v2  }
0x8e: {  	v32 =	vmul.f32 v61, v61;
	v4 =	vadd.f32 v6, v4;
	v0 =	vadd.f32 v63, v0  }
0x8f: {  	v2 =	vmul.f32 v16, v16;
	v1 =	vadd.f32 v3, v1  }
0x90: {  	s30 =	sadd.s32 $0x140, s26;
	v3 =	vadd.f32 v32, v4  }
0x91: {  	v46 =	vld [tilespmem:s30+$0xFFFFFF60];
	v1 =	vadd.f32 v2, v1;
	(xrf2) =	vadd.scan.msk.f32 $0xffff, v0  }
0x92: {  	v41 =	vld [tilespmem:s30+$0x70];
	v0, _, _ =	vpop (xrf2);
	(xrf2) =	vadd.scan.msk.f32 $0xffff, v3  }
0x93: {  	v51 =	vld [tilespmem:s30+$0x30];
	v0 =	vbroadcast v0, $0xF;
	(xrf2) =	vadd.scan.msk.f32 $0xffff, v1  }
0x94: {  	v57 =	vld [tilespmem:s30+$0x0]  }
0x95: {  	v30 =	vld [tilespmem:s30+$0xFFFFFF70];
	v1 =	vshrl.u32 v0, $0x1;
	v2 =	vmul.f32 $5.000000000e-01, v0  }
0x96: {  	v28 =	vld [tilespmem:s30+$0x80];
	v29 =	vmul.f32 v46, v46;
	v1 =	vsub.s32 $0x5F3759DF, v1  }
0x97: {  	[tilespmem:$0x1FF40] =	vst v61;
	v61 =	vld [tilespmem:s30+$0x10];
	v22 =	vmul.f32 v41, v41;
	v4, _, _ =	vpop (xrf2);
	v3 =	vmul.f32 v1, v2  }
0x98: {  	[tilespmem:$0x1FF50] =	vst v46;
	v46 =	vmul.f32 v51, v51;
	v40 =	vbroadcast v4, $0xF  }
0x99: {  	[tilespmem:$0x1FF60] =	vst v51;
	v51 =	vmul.f32 v57, v57;
	v3 =	vmul.f32 v1, v3  }
0x9a: {  	[tilespmem:$0x1FF20] =	vst v10;
	v10 =	vmul.f32 v30, v30;
	v4 =	vshrl.u32 v40, $0x1;
	v20 =	vmul.f32 $5.000000000e-01, v40  }
0x9b: {  	[tilespmem:$0x1FEF0] =	vst v11;
	v11 =	vmul.f32 v28, v28;
	v36, _, _ =	vpop (xrf2);
	v14 =	vsub.s32 $0x5F3759DF, v4;
	v3 =	vsub.f32 $1.500000000e+00, v3  }
0x9c: {  	v63 =	vmul.f32 v61, v61;
	v4 =	vmul.f32 v14, v20;
	v45, _, _ =	vpop (xrf2)  }
0x9d: {  	[tilespmem:$0x1FF30] =	vst v13;
	v13 =	vbroadcast v36, $0xF;
	v12, _, _ =	vpop (xrf2);
	v1 =	vmul.f32 v1, v3  }
0x9e: {  	v50 =	vbroadcast v45, $0xF;
	v3 =	vbroadcast v12, $0xF  }
0x9f: {  	v54 =	vmul.f32 $5.000000000e-01, v13;
	v12 =	vmul.f32 v14, v4;
	v4 =	vld [tilespmem:s30+$0x60]  }
0xa0: {  	v36 =	vld [tilespmem:s30+$0x50];
	v17 =	vmul.f32 v1, v2;
	v19 =	vshrl.u32 v50, $0x1;
	v47 =	vshrl.u32 v3, $0x1  }
0xa1: {  	v42 =	vmul.f32 $5.000000000e-01, v3;
	v43 =	vsub.s32 $0x5F3759DF, v19;
	v19 =	vmul.f32 $5.000000000e-01, v50  }
0xa2: {  	v59 =	vld [tilespmem:s30+$0xFFFFFFE0];
	v21 =	vsub.f32 $1.500000000e+00, v12;
	v18 =	vsub.s32 $0x5F3759DF, v47;
	v12 =	vmul.f32 v17, v1  }
0xa3: {  	v6 =	vld [tilespmem:s30+$0xFFFFFFB0];
	[tilespmem:$0x1FFB0] =	vst v61;
	v61 =	vadd.f32 v10, v29;
	v17 =	vmul.f32 v18, v42;
	v26 =	vmul.f32 v43, v19  }
0xa4: {  	v58 =	vld [tilespmem:s30+$0xFFFFFFF0];
	v23 =	vsub.f32 $1.500000000e+00, v12;
	v12 =	vshrl.u32 v13, $0x1;
	v47 =	vmul.f32 v4, v4  }
0xa5: {  	v32 =	vmul.f32 v36, v36;
	[tilespmem:$0x1FF70] =	vst v4;
	v4 =	vld [tilespmem:s30+$0x40];
	v17 =	vmul.f32 v18, v17;
	v52 =	vsub.s32 $0x5F3759DF, v12  }
0xa6: {  	v60 =	vld [tilespmem:s30+$0x20];
	v12 =	vmul.f32 v14, v21;
	v56 =	vmul.f32 v43, v26;
	v47 =	vadd.f32 v22, v47  }
0xa7: {  	v53 =	vmul.f32 v52, v54;
	v1 =	vmul.f32 v23, v1;
	v24 =	vsub.f32 $1.500000000e+00, v17  }
0xa8: {  	[tilespmem:$0x1FEE0] =	vst v7;
	v23 =	vmul.f32 v59, v59;
	v9 =	vadd.f32 v11, v47;
	v11 =	vmul.f32 v6, v6  }
0xa9: {  	[tilespmem:$0x1FF10] =	vst v8;
	v56 =	vsub.f32 $1.500000000e+00, v56;
	v55 =	vmul.f32 v18, v24;
	v18 =	vmul.f32 v58, v58  }
0xaa: {  	[tilespmem:$0x1FF90] =	vst v58;
	vm0 =	vgt.f32 v0, $1.000000000e+00;
	v2 =	vmul.f32 v1, v2;
	v53 =	vmul.f32 v52, v53;
	v26 =	vmovc v4;
	v4 =	vld [tilespmem:s30+$0xFFFFFFA0]  }
0xab: {  	v8 =	vld [tilespmem:s30+$0xFFFFFFC0];
	v58 =	vmul.f32 v12, v20;
	v47 =	vmul.f32 v43, v56;
	v24 =	vmovc v60;
	v18 =	vadd.f32 v18, v23  }
0xac: {  	[tilespmem:$0x1FF80] =	vst v57;
	v7 =	vld [tilespmem:s30+$0xFFFFFFD0];
	v2 =	vmul.f32 v2, v1;
	v53 =	vsub.f32 $1.500000000e+00, v53;
	v57 =	vmul.f32 v24, v24  }
0xad: {  	[tilespmem:$0x1FFA0] =	vst v59;
	v62 =	vmul.f32 v26, v26;
	v59 =	vmul.f32 v55, v42;
	v23 =	vld [tilespmem:s30+$0xFFFFFF80];
	v18 =	vadd.f32 v51, v18  }
0xae: {  	v2 =	vsub.f32 $1.500000000e+00, v2;
	v52 =	vmul.f32 v52, v53;
	v22 =	vadd.f32 v46, v57  }
0xaf: {  	v57 =	vmul.f32 v58, v12;
	v60 =	vmul.f32 v4, v4;
	v51 =	vadd.f32 v63, v18  }
0xb0: {  	v59 =	vmul.f32 v59, v55;
	v0 =	vmul.f32 v2, v1;
	v46 =	vadd.f32 v62, v22;
	v22 =	vld [tilespmem:s30+$0x90]  }
0xb1: {  	v63 =	vmul.f32 v8, v8;
	v62 =	vadd.f32 v11, v60;
	v57 =	vsub.f32 $1.500000000e+00, v57;
	(xrf2) =	vadd.scan.msk.f32 $0xffff, v51  }
0xb2: {  	v29 =	vld [tilespmem:s30+$0xFFFFFF90];
	v60 =	vmul.f32 v7, v7;
	v46 =	vadd.f32 v32, v46;
	v32 =	vmul.f32 v23, v23  }
0xb3: {  	v11 =	vmul.f32 v47, v19;
	v0 =	vnsel vm0, $0x3F800000, v0;
	v43 =	vadd.f32 v63, v62  }
0xb4: {  	[tilespmem:$0x1FFE0] =	vst v8;
	v8 =	vmul.f32 v57, v12;
	v32 =	vadd.f32 v32, v61;
	v61 =	vsub.f32 $1.500000000e+00, v59  }
0xb5: {  	vm0 =	vgt.f32 v3, $1.000000000e+00;
	v3 =	vmul.f32 v52, v54;
	(xrf2) =	vadd.scan.msk.f32 $0xffff, v46;
	v62 =	vmul.f32 v22, v22  }
0xb6: {  	v43 =	vadd.f32 v60, v43;
	v10 =	vmul.f32 v8, v20;
	v55 =	vmul.f32 v61, v55  }
0xb7: {  	[tilespmem:$0x1FFC0] =	vst v4;
	v35 =	vmul.f32 v0, v35;
	v63 =	vmul.f32 v29, v29;
	v4 =	vadd.f32 v62, v9  }
0xb8: {  	(xrf2) =	vadd.scan.msk.f32 $0xffff, v43;
	v1 =	vmul.f32 v10, v8;
	v42 =	vmul.f32 v55, v42  }
0xb9: {  	v38 =	vmul.f32 v0, v38;
	v3 =	vmul.f32 v3, v52;
	v2 =	vadd.f32 v63, v32;
	(xrf2) =	vadd.scan.msk.f32 $0xffff, v4  }
0xba: {  	v34 =	vmul.f32 v0, v34;
	v1 =	vsub.f32 $1.500000000e+00, v1;
	v59 =	vmul.f32 v42, v55  }
0xbb: {  	v3 =	vsub.f32 $1.500000000e+00, v3;
	v42 =	vmul.f32 v0, v39;
	v0 =	vmul.f32 v11, v47;
	v58, _, _ =	vpop (xrf2);
	(xrf2) =	vadd.scan.msk.f32 $0xffff, v2  }
0xbc: {  	vm1 =	vgt.f32 v40, $1.000000000e+00;
	v2 =	vmul.f32 v1, v8;
	v58 =	vbroadcast v58, $0xF  }
0xbd: {  	v51 =	vimm.f32 $0.0e+00;
	v57 =	vmul.f32 v3, v52;
	v4 =	vsub.f32 $1.500000000e+00, v59  }
0xbe: {  	v63 =	vsub.f32 $1.500000000e+00, v0;
	v40 =	vnsel vm1, $0x3F800000, v2;
	v46 =	vmul.f32 $5.000000000e-01, v58  }
0xbf: {  	v1 =	vshrl.u32 v58, $0x1;
	v60, _, _ =	vpop (xrf2);
	v44 =	vmul.f32 v40, v33;
	v0 =	vmul.f32 v4, v55  }
0xc0: {  	v31 =	vmul.f32 v40, v37;
	v1 =	vsub.s32 $0x5F3759DF, v1;
	v39 =	vbroadcast v60, $0xF  }
0xc1: {  	v59 =	vimm.f32 $0.0e+00;
	v37 =	vmul.f32 v40, v48;
	v2 =	vmul.f32 v1, v46  }
0xc2: {  	v60, _, _ =	vpop (xrf2);
	v52 =	vnsel vm0, $0x3F800000, v0;
	v61 =	vshrl.u32 v39, $0x1;
	v43 =	vmul.f32 $5.000000000e-01, v39  }
0xc3: {  	vm0 =	vgt.f32 v50, $1.000000000e+00;
	v2 =	vmul.f32 v1, v2;
	v3 =	vsub.s32 $0x5F3759DF, v61;
	v4, _, _ =	vpop (xrf2)  }
0xc4: {  	v50 =	vimm.f32 $0.0e+00;
	v32 =	vbroadcast v4, $0xF;
	v4 =	vmul.f32 v3, v43  }
0xc5: {  	[tilespmem:$0x1FFD0] =	vst v6;
	v56 =	vmul.f32 v52, v49;
	v53 =	vsub.f32 $1.500000000e+00, v2;
	v2 =	vmul.f32 v52, v5;
	v62, _, _ =	vpop (xrf2)  }
0xc6: {  	s29 =	simm.s32 $0x5;
	[tilespmem:$0x1FFF0] =	vst v7;
	s30 =	sadd.s32 $0x140, s30;
	v61 =	vimm.f32 $0.0e+00;
	v0 =	vbroadcast v62, $0xF;
	v48 =	vmul.f32 v3, v4  }
.LBB2_3:
0xc7: {  	_ = 	snop  }
0xc8: {  	v4 =	vmul.f32 v1, v53;
	v1 =	vmul.f32 v57, v54;
	_ =	sdelay $0x1  }
0xc9: {  	v17 =	vld [tilespmem:s30+$0x30];
	v49 =	vshrl.u32 v0, $0x1;
	v53 =	vmul.f32 $5.000000000e-01, v0  }
0xca: {  	v5 =	vsub.s32 $0x5F3759DF, v49;
	v6 =	vmul.f32 v52, v15;
	v8 =	vmul.f32 v52, v16;
	v52 =	vld [tilespmem:s30+$0x20]  }
0xcb: {  	v10 =	vld [tilespmem:s30+$0xFFFFFF60];
	v11 =	vmul.f32 v1, v57;
	v54 =	vmul.f32 v5, v53;
	v1 =	vmov v29  }
0xcc: {  	v47 =	vmul.f32 v63, v47;
	[tilespmem:$0x1FE50] =	vst v1;
	v1 =	vld [tilespmem:s30+$0x40]  }
0xcd: {  	[tilespmem:$0x1FE20] =	vst v41;
	v12 =	vld [tilespmem:s30+$0x70];
	v41 =	vshrl.u32 v32, $0x1;
	v45 =	vmul.f32 v5, v54  }
0xce: {  	v62 =	vld [tilespmem:s30+$0x80];
	vm3 =	vgt.f32 v13, $1.000000000e+00;
	v33 =	vbroadcast v60, $0xF;
	v29 =	vmul.f32 v47, v19  }
0xcf: {  	v7 =	vmovc v30;
	v55 =	vld [tilespmem:s30+$0x60];
	[tilespmem:$0x1FEC0] =	vst v32;
	v16 =	vmul.f32 v17, v17;
	v19 =	vsub.f32 $1.500000000e+00, v45;
	v45 =	vmul.f32 v52, v52  }
0xd0: {  	v32 =	vmul.f32 $5.000000000e-01, v32;
	vm2 =	vgt.f32 v58, $1.000000000e+00;
	v63 =	vld [tilespmem:s30+$0xFFFFFFF0];
	[tilespmem:$0x1FE30] =	vst v7;
	v7 =	vsub.f32 $1.500000000e+00, v48  }
0xd1: {  	v9 =	vsub.f32 $1.500000000e+00, v11;
	v11 =	vld [tilespmem:s30+$0xFFFFFFD0];
	v16 =	vadd.f32 v16, v45;
	v45 =	vmul.f32 v1, v1  }
0xd2: {  	v13 =	vsub.s32 $0x5F3759DF, v41;
	vm1 =	vgt.f32 v0, $1.000000000e+00;
	v15 =	vmul.f32 v29, v47;
	v29 =	vld [tilespmem:$0x1FF30]  }
0xd3: {  	v30 =	vmul.f32 v4, v46;
	v21 =	vmul.f32 v13, v32;
	v16 =	vadd.f32 v45, v16;
	v45 =	vld [tilespmem:$0x1FFF0]  }
0xd4: {  	[tilespmem:$0x1FE70] =	vst v24;
	v7 =	vmul.f32 v3, v7;
	v3 =	vadd.f32 v8, v51;
	v51 =	vld [tilespmem:s30+$0xFFFFFFE0];
	v9 =	vmul.f32 v9, v57  }
0xd5: {  	v60 =	vld [tilespmem:s30+$0x0];
	v41 =	vshrl.u32 v33, $0x1;
	v30 =	vmul.f32 v30, v4;
	[tilespmem:$0x1FEA0] =	vst v10;
	v10 =	vmul.f32 v10, v10  }
0xd6: {  	v0 =	vld [tilespmem:s30+$0x10];
	[tilespmem:$0x1FE40] =	vst v12;
	v12 =	vmul.f32 v12, v12;
	v18 =	vmul.f32 v55, v55;
	v9 =	vnsel vm3, $0x3F800000, v9  }
0xd7: {  	[tilespmem:$0x1FEB0] =	vst v23;
	v58 =	vsub.s32 $0x5F3759DF, v41;
	v41 =	vld [tilespmem:s30+$0xFFFFFF80];
	v23 =	vmul.f32 v7, v43;
	v57 =	vmul.f32 v9, v29;
	v29 =	vmovc v11  }
0xd8: {  	v14 =	vmul.f32 v62, v62;
	v24 =	vmul.f32 v63, v63;
	v30 =	vsub.f32 $1.500000000e+00, v30;
	[tilespmem:$0x1FFF0] =	vst v29;
	v29 =	vld [tilespmem:$0x1FF00];
	v45 =	vmovc v45  }
0xd9: {  	v12 =	vadd.f32 v12, v18;
	v18 =	vmul.f32 v23, v7;
	v23 =	vmul.f32 v51, v51;
	[tilespmem:$0x1FF30] =	vst v45;
	v45 =	vld [tilespmem:$0x1FFD0]  }
0xda: {  	[tilespmem:$0x1FE60] =	vst v22;
	v2 =	vadd.f32 v2, v50;
	v8 =	vmul.f32 v13, v21;
	v21 =	vld [tilespmem:s30+$0xFFFFFFB0];
	v5 =	vmul.f32 v5, v19  }
0xdb: {  	v48 =	vmovc v34;
	v22 =	vmul.f32 v60, v60;
	v4 =	vmul.f32 v30, v4;
	v30 =	vld [tilespmem:s30+$0xFFFFFF70];
	v23 =	vadd.f32 v24, v23  }
0xdc: {  	v34 =	vmovc v25;
	v6 =	vadd.f32 v6, v59;
	v19 =	vadd.f32 v56, v61;
	v56 =	vld [tilespmem:s30+$0x50];
	v25 =	vmul.f32 v5, v53  }
0xdd: {  	v50 =	vld [tilespmem:s30+$0xFFFFFFA0];
	v15 =	vsub.f32 $1.500000000e+00, v15;
	v22 =	vadd.f32 v22, v23;
	v23 =	vmul.f32 v0, v0  }
0xde: {  	[tilespmem:$0x1FE80] =	vst v17;
	v17 =	vld [tilespmem:s30+$0xFFFFFFC0];
	v8 =	vsub.f32 $1.500000000e+00, v8;
	v25 =	vmul.f32 v25, v5;
	v59 =	vmul.f32 v9, v29;
	v29 =	vmovc v45  }
0xdf: {  	[tilespmem:$0x1FE10] =	vst v31;
	v61 =	vmul.f32 v11, v11;
	v12 =	vadd.f32 v14, v12;
	v22 =	vadd.f32 v23, v22;
	v23 =	vld [tilespmem:s30+$0x90]  }
0xe0: {  	v31 =	vmovc v38;
	v38 =	vld [tilespmem:s30+$0xFFFFFF90];
	[tilespmem:$0x1FED0] =	vst v41;
	v14 =	vmul.f32 v15, v47;
	v47 =	vmul.f32 v30, v30;
	v24 =	vsub.f32 $1.500000000e+00, v25  }
0xe1: {  	v25 =	vmul.f32 v56, v56;
	[tilespmem:$0x1FF00] =	vst v29;
	v29 =	vmovc v28;
	v28 =	vmul.f32 v41, v41;
	v41 =	vmov v21  }
0xe2: {  	v15 =	vmul.f32 v50, v50;
	v11 =	vmul.f32 v21, v21;
	[tilespmem:$0x1FFD0] =	vst v41;
	v41 =	vld [tilespmem:$0x1FF20]  }
0xe3: {  	v10 =	vadd.f32 v47, v10;
	v47 =	vmul.f32 v13, v8;
	v13 =	vmovc v17;
	v16 =	vadd.f32 v25, v16;
	v25 =	vld [tilespmem:$0x1FEF0]  }
0xe4: {  	v45 =	vadd.f32 v11, v15;
	v15 =	vld [tilespmem:$0x1FFE0];
	[tilespmem:$0x1FFE0] =	vst v13;
	v13 =	vmul.f32 v23, v23  }
0xe5: {  	v49 =	vmovc v37;
	v37 =	vmov v26;
	v26 =	vmul.f32 v38, v38;
	v18 =	vsub.f32 $1.500000000e+00, v18  }
0xe6: {  	v12 =	vadd.f32 v13, v12;
	v13 =	vld [tilespmem:$0x1FEE0]  }
0xe7: {  	v7 =	vmul.f32 v18, v7;
	v10 =	vadd.f32 v28, v10;
	v8 =	vmul.f32 v9, v41  }
0xe8: {  	[tilespmem:$0x1FE90] =	vst v36;
	v36 =	vmov v27;
	v27 =	vmul.f32 v17, v17;
	v25 =	vmul.f32 v9, v25  }
0xe9: {  	v10 =	vadd.f32 v26, v10;
	v26 =	vmovc v1;
	v1 =	vmul.f32 v7, v43;
	v43 =	vld [tilespmem:$0x1FF10];
	v8 =	vadd.f32 v8, v19  }
0xea: {  	v2 =	vadd.f32 v25, v2;
	v9 =	vadd.f32 v27, v45  }
0xeb: {  	v17 =	vld [tilespmem:$0x1FFC0];
	v13 =	vmul.f32 v40, v13;
	v8 =	vadd.f32 v31, v8  }
0xec: {  	(xrf2) =	vadd.scan.msk.f32 $0xffff, v22;
	v2 =	vadd.f32 v42, v2;
	v9 =	vadd.f32 v61, v9  }
0xed: {  	(xrf2) =	vadd.scan.msk.f32 $0xffff, v16;
	v8 =	vadd.f32 v13, v8;
	v13 =	vnsel vm0, $0x3F800000, v14  }
0xee: {  	v2 =	vadd.f32 v44, v2;
	(xrf2) =	vadd.scan.msk.f32 $0xffff, v9;
	v9 =	vmul.f32 v13, v43;
	_ =	sdelay $0x1  }
0xef: {  	v21 =	vmovc v15;
	v15 =	vmov v17;
	v17 =	vmov v50;
	v50 =	vadd.f32 v9, v2;
	v2 =	vld [tilespmem:$0x1FE10]  }
0xf0: {  	v54 =	vmul.f32 $5.000000000e-01, v33;
	v6 =	vadd.f32 v59, v6;
	_ =	sdelay $0x1  }
0xf1: {  	v20 =	vmul.f32 v58, v54;
	v6 =	vadd.f32 v35, v6  }
0xf2: {  	v46 =	vmul.f32 v4, v46;
	[tilespmem:$0x1FFC0] =	vst v17;
	v17 =	vmov v37  }
0xf3: {  	[tilespmem:$0x1FEF0] =	vst v15;
	v15 =	vmul.f32 v58, v20;
	v20 =	vmul.f32 v13, v34;
	v2 =	vadd.f32 v2, v6  }
0xf4: {  	v3 =	vadd.f32 v57, v3;
	v41 =	vmul.f32 v46, v4;
	[tilespmem:$0x1FEE0] =	vst v17;
	v45 =	vld [tilespmem:$0x1FF40]  }
0xf5: {  	v1 =	vmul.f32 v1, v7;
	v17, _, _ =	vpop (xrf2);
	(xrf2) =	vadd.scan.msk.f32 $0xffff, v12;
	v12 =	vmov v55;
	v59 =	vadd.f32 v20, v2;
	v2 =	vld [tilespmem:$0x1FF70]  }
0xf6: {  	v11 =	vsub.f32 $1.500000000e+00, v41;
	[tilespmem:$0x1FF70] =	vst v12;
	v12 =	vld [tilespmem:$0x1FF80]  }
0xf7: {  	v3 =	vadd.f32 v48, v3;
	v1 =	vsub.f32 $1.500000000e+00, v1  }
0xf8: {  	v5 =	vmul.f32 v24, v5;
	v4 =	vmul.f32 v11, v4  }
0xf9: {  	v3 =	vadd.f32 v49, v3;
	v11 =	vmul.f32 v13, v45  }
0xfa: {  	v27 =	vmovc v29;
	v29 =	vmovc v38;
	v4 =	vnsel vm2, $0x3F800000, v4;
	v46 =	vmov v2;
	v2 =	vmul.f32 v5, v53;
	v53 =	vld [tilespmem:$0x1FF90]  }
0xfb: {  	v38 =	vmul.f32 v4, v12;
	v12 =	vmul.f32 v1, v7;
	v1 =	vmovc v51;
	v51 =	vadd.f32 v11, v3;
	v3 =	vld [tilespmem:$0x1FFB0]  }
0xfc: {  	[tilespmem:$0x1FF10] =	vst v46;
	v46 =	vld [tilespmem:$0x1FFA0];
	_ =	sdelay $0x3  }
0xfd: {  	v35 =	vmul.f32 v4, v53  }
0xfe: {  	v15 =	vsub.f32 $1.500000000e+00, v15;
	v34 =	vmul.f32 v4, v3;
	v42 =	vmul.f32 v4, v46;
	v4 =	vmovc v0  }
0xff: {  	[tilespmem:$0x1FFB0] =	vst v4;
	v4 =	vld [tilespmem:$0x1FE60]  }
0x100: {  	v9 =	vmul.f32 v58, v15;
	_ =	sdelay $0x1  }
0x101: {  	v16 =	vmul.f32 v47, v32;
	v37 =	vmul.f32 v9, v54  }
0x102: {  	v2 =	vmul.f32 v2, v5  }
0x103: {  	v3 =	vmul.f32 v16, v47;
	v0 =	vmov v4;
	v4 =	vmul.f32 v37, v9  }
0x104: {  	v44 =	vld [tilespmem:$0x1FE20];
	v2 =	vsub.f32 $1.500000000e+00, v2  }
0x105: {  	v48 =	vmov v63;
	v63 =	vsub.f32 $1.500000000e+00, v3;
	v3 =	vsub.f32 $1.500000000e+00, v4;
	v4 =	vld [tilespmem:$0x1FE70]  }
0x106: {  	v55, _, _ =	vpop (xrf2)  }
0x107: {  	vm0 =	vgt.f32 v39, $1.000000000e+00;
	v39 =	vbroadcast v55, $0xF;
	v2 =	vmul.f32 v2, v5;
	v5 =	vld [tilespmem:$0x1FE80]  }
0x108: {  	v58 =	vbroadcast v17, $0xF  }
0x109: {  	v43 =	vmul.f32 $5.000000000e-01, v39;
	v40 =	vnsel vm0, $0x3F800000, v12  }
0x10a: {  	v25 =	vmovc v44;
	[tilespmem:$0x1FFA0] =	vst v1;
	v1 =	vshrl.u32 v58, $0x1;
	v44 =	vmul.f32 v40, v4;
	v4 =	vshrl.u32 v39, $0x1  }
0x10b: {  	v46 =	vmul.f32 $5.000000000e-01, v58;
	v57 =	vmul.f32 v3, v9;
	v3 =	vsub.s32 $0x5F3759DF, v4  }
0x10c: {  	v24 =	vmovc v52;
	v1 =	vsub.s32 $0x5F3759DF, v1;
	v52 =	vmov v5;
	v5 =	vmul.f32 v3, v43  }
0x10d: {  	[tilespmem:$0x1FF40] =	vst v0;
	v0 =	vmul.f32 v1, v46  }
0x10e: {  	[tilespmem:$0x1FF90] =	vst v48;
	v48 =	vmul.f32 v3, v5;
	v5 =	vld [tilespmem:$0x1FEB0]  }
0x10f: {  	v0 =	vmul.f32 v1, v0  }
0x110: {  	v14 =	vmul.f32 v13, v36;
	v36 =	vmov v60  }
0x111: {  	v53 =	vsub.f32 $1.500000000e+00, v0;
	v0 =	vld [tilespmem:$0x1FF60]  }
0x112: {  	(xrf2) =	vadd.scan.msk.f32 $0xffff, v10;
	[tilespmem:$0x1FF60] =	vst v52;
	v52 =	vnsel vm1, $0x3F800000, v2;
	v2 =	vld [tilespmem:$0x1FE90]  }
0x113: {  	[tilespmem:$0x1FF80] =	vst v36;
	v36 =	vmov v56;
	v56 =	vmul.f32 v52, v5;
	v5 =	vld [tilespmem:$0x1FEC0];
	_ =	sdelay $0x1  }
0x114: {  	v18 =	vld [tilespmem:$0x1FE40]  }
0x115: {  	v55 =	vld [tilespmem:$0x1FEA0]  }
0x116: {  	s29 =	sadd.s32 $0x5, s29;
	v37 =	vmul.f32 v40, v2;
	v2 =	vld [tilespmem:$0x1FF50]  }
0x117: {  	p0 =	slt.u32 s29, $0x2D;
	vm0 =	vgt.f32 v5, $1.000000000e+00;
	v5 =	vld [tilespmem:$0x1FED0]  }
.Ltmp0:
0x118: {  	v60, _, _ =	vpop (xrf2);
	(pc) =	sbr.rel @p0 .LBB2_3-.Ltmp0, $4  }
0x119: {  	v49, _, _ =	vpop (xrf2)  }
0x11a: {  	v22 =	vmovc v23;
	v28 =	vmovc v62;
	v19 =	vmov v32;
	v41 =	vmov v18;
	v4 =	vbroadcast v49, $0xF  }
0x11b: {  	[tilespmem:$0x1FF20] =	vst v21;
	v15 =	vld [tilespmem:$0x1FE30];
	v61 =	vadd.f32 v14, v8;
	v62 =	vmov v55;
	v31 =	vmul.f32 v40, v0;
	v0, _, _ =	vpop (xrf2)  }
0x11c: {  	s30 =	sadd.s32 $0x140, s30;
	v13 =	vmovc v33;
	v16 =	vld [tilespmem:$0x1FE50];
	[tilespmem:$0x1FF50] =	vst v62;
	v32 =	vmovc v4;
	v0 =	vbroadcast v0, $0xF;
	v2 =	vmul.f32 v52, v2;
	v23 =	vmov v5  }
0x11d: {  	v1 =	vmul.f32 v1, v53  }
0x11e: {  	v5 =	vmul.f32 v57, v54;
	v7 =	vmul.f32 v63, v47  }
0x11f: {  	v10 =	vsub.f32 $1.500000000e+00, v48;
	vm3 =	vgt.f32 v13, $1.000000000e+00;
	vm1 =	vgt.f32 v58, $1.000000000e+00  }
0x120: {  	v33 =	vshrl.u32 v32, $0x1;
	v14 =	vmul.f32 $5.000000000e-01, v32;
	v48 =	vadd.f32 v56, v61  }
0x121: {  	vm13 =	vgt.f32 v39, $1.000000000e+00;
	vm15 =	vgt.f32 v32, $1.000000000e+00;
	v8 =	vmul.f32 $5.000000000e-01, v0  }
0x122: {  	v4 =	vshrl.u32 v0, $0x1;
	v6 =	vmul.f32 v1, v46;
	v3 =	vmul.f32 v3, v10  }
0x123: {  	v4 =	vsub.s32 $0x5F3759DF, v4;
	v5 =	vmul.f32 v5, v57;
	v45 =	vmul.f32 v7, v19  }
0x124: {  	v2 =	vadd.f32 v2, v50;
	v9 =	vmul.f32 v52, v15;
	v12 =	vmul.f32 v4, v8  }
0x125: {  	vm2 =	vgt.f32 v0, $1.000000000e+00;
	v6 =	vmul.f32 v6, v1;
	v11 =	vmul.f32 v52, v16  }
0x126: {  	v5 =	vsub.f32 $1.500000000e+00, v5;
	v13 =	vmul.f32 v45, v7;
	v21 =	vmul.f32 v4, v12  }
0x127: {  	v54 =	vld [tilespmem:$0x1FF00];
	v12 =	vbroadcast v60, $0xF;
	v9 =	vadd.f32 v9, v59;
	v6 =	vsub.f32 $1.500000000e+00, v6  }
0x128: {  	v20 =	vld [tilespmem:$0x1FEF0];
	v11 =	vadd.f32 v11, v51;
	v5 =	vmul.f32 v5, v57;
	v13 =	vsub.f32 $1.500000000e+00, v13  }
0x129: {  	v51 =	vmul.f32 v3, v43;
	v10 =	vsub.f32 $1.500000000e+00, v21;
	v47 =	vshrl.u32 v12, $0x1  }
0x12a: {  	v49 =	vmul.f32 $5.000000000e-01, v12;
	vm14 =	vgt.f32 v12, $1.000000000e+00;
	v1 =	vmul.f32 v6, v1  }
0x12b: {  	v53 =	vld [tilespmem:$0x1FF30];
	v6 =	vsub.s32 $0x5F3759DF, v33;
	v7 =	vmul.f32 v13, v7;
	v0 =	vmul.f32 v51, v3  }
0x12c: {  	v21 =	vld [tilespmem:$0x1FF20];
	v5 =	vnsel vm3, $0x3F800000, v5;
	v4 =	vmul.f32 v4, v10;
	v17 =	vmul.f32 v6, v14  }
0x12d: {  	v10 =	vsub.s32 $0x5F3759DF, v47;
	v19 =	vmul.f32 v5, v54;
	v20 =	vmul.f32 v5, v20  }
0x12e: {  	v18 =	vmul.f32 v10, v49;
	v0 =	vsub.f32 $1.500000000e+00, v0;
	v58 =	vmul.f32 v1, v46  }
0x12f: {  	v7 =	vnsel vm0, $0x3F800000, v7;
	v17 =	vmul.f32 v6, v17;
	v55 =	vmul.f32 v4, v8  }
0x130: {  	v2 =	vadd.f32 v20, v2;
	v52 =	vmul.f32 v10, v18;
	v18 =	vmul.f32 v5, v53  }
0x131: {  	v60 =	vld [tilespmem:$0x1FEE0];
	v9 =	vadd.f32 v19, v9;
	v5 =	vmul.f32 v5, v21;
	v0 =	vmul.f32 v0, v3  }
0x132: {  	v17 =	vsub.f32 $1.500000000e+00, v17;
	v57 =	vmul.f32 v55, v4;
	v2 =	vadd.f32 v42, v2  }
0x133: {  	v9 =	vadd.f32 v35, v9;
	v35 =	vmul.f32 v7, v27;
	v13 =	vsub.f32 $1.500000000e+00, v52  }
0x134: {  	v56 =	vadd.f32 v5, v48;
	v63 =	vmul.f32 v0, v43;
	v11 =	vadd.f32 v18, v11  }
0x135: {  	v20 =	vld [tilespmem:$0x1FF10];
	v6 =	vmul.f32 v6, v17;
	v5 =	vsub.f32 $1.500000000e+00, v57;
	v10 =	vmul.f32 v10, v13  }
0x136: {  	v17 =	vmul.f32 v40, v60;
	v2 =	vadd.f32 v44, v2;
	v13 =	vmul.f32 v58, v1  }
0x137: {  	v39 =	vld [tilespmem:$0x1FF40];
	v9 =	vadd.f32 v31, v9;
	v4 =	vmul.f32 v5, v4;
	v59 =	vmul.f32 v10, v49  }
0x138: {  	v3 =	vadd.f32 v38, v56;
	v33 =	vmul.f32 v63, v0;
	v38 =	vmul.f32 v7, v25  }
0x139: {  	v46 =	vld [tilespmem:$0x1FFA0];
	v61 =	vsub.f32 $1.500000000e+00, v13;
	v8 =	vmul.f32 v4, v8;
	v15 =	vmul.f32 v59, v10  }
0x13a: {  	v40 =	vmul.f32 v6, v14;
	v3 =	vadd.f32 v17, v3;
	v17 =	vmul.f32 v7, v20  }
0x13b: {  	v44 =	vld [tilespmem:$0x1FF90];
	v1 =	vmul.f32 v61, v1;
	v8 =	vmul.f32 v8, v4;
	v62 =	vsub.f32 $1.500000000e+00, v15  }
0x13c: {  	v45 =	vld [tilespmem:$0x1FF80];
	v11 =	vadd.f32 v34, v11;
	v7 =	vmul.f32 v7, v39;
	v42 =	vmul.f32 v40, v6  }
0x13d: {  	v47 =	vld [tilespmem:$0x1FFB0];
	v1 =	vnsel vm1, $0x3F800000, v1;
	v8 =	vsub.f32 $1.500000000e+00, v8;
	v21 =	vmul.f32 v62, v10  }
0x13e: {  	v48 =	vld [tilespmem:$0x1FF50];
	v2 =	vadd.f32 v17, v2;
	v17 =	vmul.f32 v1, v46;
	v10 =	vsub.f32 $1.500000000e+00, v33  }
0x13f: {  	v11 =	vadd.f32 v37, v11;
	v4 =	vmul.f32 v8, v4;
	v16 =	vmul.f32 v21, v49  }
0x140: {  	v8 =	vmul.f32 v1, v44;
	v0 =	vmul.f32 v10, v0;
	v10 =	vsub.f32 $1.500000000e+00, v42  }
0x141: {  	v7 =	vadd.f32 v7, v11;
	v43 =	vmul.f32 v16, v21;
	v16 =	vmul.f32 v1, v45  }
0x142: {  	v53 =	vld [tilespmem:$0x1FFE0];
	v4 =	vnsel vm2, $0x3F800000, v4;
	v1 =	vmul.f32 v1, v47;
	v6 =	vmul.f32 v10, v6  }
0x143: {  	v52 =	vld [tilespmem:$0x1FFC0];
	v10 =	vmul.f32 v4, v48;
	v49 =	vmul.f32 v4, v29;
	v15 =	vsub.f32 $1.500000000e+00, v43  }
0x144: {  	v55 =	vld [tilespmem:$0x1FFD0];
	v3 =	vadd.f32 v35, v3;
	v50 =	vmul.f32 v4, v23;
	v14 =	vmul.f32 v6, v14  }
0x145: {  	v56 =	vld [tilespmem:$0x1FFF0];
	v4 =	vmul.f32 v4, v30;
	v0 =	vnsel vm13, $0x3F800000, v0;
	v5 =	vmul.f32 v15, v21  }
0x146: {  	v9 =	vadd.f32 v38, v9;
	v57 =	vmul.f32 v0, v24;
	v51 =	vmul.f32 v14, v6  }
0x147: {  	v7 =	vadd.f32 v49, v7;
	v3 =	vadd.f32 v50, v3;
	v5 =	vnsel vm14, $0x3F800000, v5  }
0x148: {  	v58 =	vld [tilespmem:$0x1FF60];
	v2 =	vadd.f32 v10, v2;
	v54 =	vsub.f32 $1.500000000e+00, v51;
	v10 =	vmul.f32 v5, v52  }
0x149: {  	v60 =	vld [tilespmem:$0x1FF70];
	v4 =	vadd.f32 v4, v9;
	v12 =	vmul.f32 v5, v53;
	v11 =	vmul.f32 v5, v55  }
0x14a: {  	v5 =	vmul.f32 v5, v56;
	v6 =	vmul.f32 v54, v6;
	v2 =	vadd.f32 v10, v2  }
0x14b: {  	v59 =	vmul.f32 v0, v36;
	v3 =	vadd.f32 v12, v3;
	v4 =	vadd.f32 v11, v4  }
0x14c: {  	v5 =	vadd.f32 v5, v7;
	v6 =	vnsel vm15, $0x3F800000, v6;
	v2 =	vadd.f32 v17, v2  }
0x14d: {  	v3 =	vadd.f32 v16, v3;
	v4 =	vadd.f32 v8, v4;
	v8 =	vmul.f32 v0, v58  }
0x14e: {  	v0 =	vmul.f32 v0, v26;
	v7 =	vmul.f32 v6, v60;
	v2 =	vadd.f32 v57, v2  }
0x14f: {  	v1 =	vadd.f32 v1, v5;
	v61 =	vmul.f32 v6, v41;
	v4 =	vadd.f32 v8, v4  }
0x150: {  	v62 =	vmul.f32 v6, v28;
	v0 =	vadd.f32 v0, v3;
	v2 =	vadd.f32 v7, v2  }
0x151: {  	s29 =	sshll.u32 s28, $0x6;
	s28 =	sadd.s32 $0x1, s28;
	v6 =	vmul.f32 v6, v22;
	v1 =	vadd.f32 v59, v1;
	v4 =	vadd.f32 v61, v4  }
0x152: {  	p0 =	sne.s32 s28, $0x20;
	v0 =	vadd.f32 v62, v0;
	v2 =	vmul.f32 $1.999999960e-02, v2  }
.Ltmp1:
0x153: {  	s29 =	sand.u32 $0x3FFFFFC0, s29;
	v1 =	vadd.f32 v6, v1;
	v63 =	vmul.f32 $1.999999960e-02, v4;
	(pc) =	sbr.rel @p0 .LBB2_2-.Ltmp1, $4  }
0x154: {  	v0 =	vmul.f32 $1.999999960e-02, v0;
	[tilespmem:s29+$0x19640] =	vst v2  }
0x155: {  	v1 =	vmul.f32 $1.999999960e-02, v1;
	[tilespmem:s29+$0x19650] =	vst v63  }
0x156: {  	[tilespmem:s29+$0x19660] =	vst v0  }
0x157: {  	s26 =	sadd.s32 $0xC80, s26;
	[tilespmem:s29+$0x19670] =	vst v1  }
0x158: {  	s25 =	sadd.s32 $0x1, s25  }
0x159: {  	p0 =	sne.s32 s25, s6  }
.Ltmp2:
0x15a: {  	_ = 	snop;
	(pc) =	sbr.rel @p0 .LBB2_1-.Ltmp2, $4  }
0x15b: {  	[hbm4b:s5+s2] =	stream.linear.scatter [tilespmem:s24], [sflag:$0x2], $0x800, $0x38;
	[tilespmem:$0x19E40] =	vst v63  }
0x15c: {  	_ =	swait.ge [sflag:s7], $0x800  }
0x15d: {  	[sflag:s7] =	ssyncset.done $0x0  }
0x15e: {  	[sflag:s7] =	ssyncadd.s32 $0xFFFFF800  }
0x15f: {  	_ =	sfence.sel $0x180000  }
0x160: {  	[bflag:$0x0] =	sbarrier.arrive $0xFFFF  }
0x161: {  	_ =	strace $0x90000047  }
0x162: {  	s0 =	stileid.u32;
	[bflag:$0x2] =	sbarrier.arrive $0xFFFF  }
0x163: {  	p0 =	sne.s32 s0, $0x0;
	s0 =	rddreg [dreg:$0x2]  }
0x164: {  	s0 =	sadd.s32 @!p0 $0x100000, s0  }
0x165: {  	[sflag:s0] =	ssyncadd.tile.s32 @!p0 $0x1;
	_ =	shalt  }
.Lfunc_end2:
_tile_overlayer_lowered:
.L_overlay_start_2:
0x166: {  	(tag) =	ssettag $0x2  }
0x167: {  	s0 =	rddreg [dreg:$0x0];
	s2 =	stileid.u32  }
0x168: {  	s1 =	rddreg [dreg:$0x1];
	p0 =	sne.s32 s2, $0x0  }
0x169: {  	s3 =	rddreg [dreg:$0x2];
	[bflag:$0x3] =	sbarrier.arrive $0xFFFF;
	s2 =	simm.s32 @!p0 $0x1C02  }
0x16a: {  	[timem:s3], [sflag:s2] =	dma.local @!p0 [hbm:s0], s1  }
0x16b: {  	s0 =	simm.s32 @!p0 $0x2  }
0x16c: {  	_ =	swait.ge @!p0 [sflag:s0], s1  }
0x16d: {  	s1 =	ssub.s32 @!p0 $0x0, s1;
	[sflag:s0] =	ssyncset.done @!p0 $0x0  }
0x16e: {  	[sflag:s0] =	ssyncadd.s32 @!p0 s1  }
0x16f: {  	[bflag:$0x3] =	sbarrier.arrive $0xFFFF  }
0x170: {  	_ =	shalt  }

</sc_bundles>
